<compile_context>
chip_gen: v7x
topology: tpu7x:2x2x1
jax: 0.10.2.dev20260603
libtpu: 0.0.44.dev20260713+nightly
codegen_flags: <defaults>
</compile_context>

<pallas_src>
import functools

import jax
import jax.numpy as jnp
from jax import lax
from jax.experimental import pallas as pl
from jax.experimental.pallas import tpu as pltpu
from jax.experimental.pallas import tpu_sc as plsc

N_NODES = 10000
D = 128
N_PAD = 10240
NC, NS = 2, 16
NW = NC * NS
CHUNK = 128
RPT = N_PAD // NS
BR = 512
GRID = N_PAD // BR

_mesh = plsc.VectorSubcoreMesh(core_axis_name="c", subcore_axis_name="s")


def _zero_fill_1d(ref, n):
    def body(i, _):
        ref[pl.ds(i * 16, 16)] = jnp.zeros((16,), jnp.float32)
        return 0
    lax.fori_loop(0, n // 16, body, 0)


def _hist_body(cpt, dst_hbm, out_hbm, idx_v, ones_v, zero_v, hist_sh):
    c = lax.axis_index("c")
    s = lax.axis_index("s")
    wid = s * NC + c

    def fill_ones(i, _):
        ones_v[pl.ds(i * 16, 16)] = jnp.ones((16,), jnp.float32)
        return 0
    lax.fori_loop(0, CHUNK // 16, fill_ones, 0)
    _zero_fill_1d(zero_v, RPT)
    pltpu.sync_copy(zero_v, hist_sh.at[pl.ds(s * RPT, RPT)])
    plsc.subcore_barrier()

    base = wid * cpt * CHUNK

    def body(t, _):
        off = base + t * CHUNK
        pltpu.sync_copy(dst_hbm.at[pl.ds(off, CHUNK)], idx_v)
        pltpu.sync_copy(ones_v, hist_sh.at[idx_v], add=True)
        return 0
    lax.fori_loop(0, cpt, body, 0)

    plsc.subcore_barrier()
    pltpu.sync_copy(hist_sh.at[pl.ds(s * RPT, RPT)],
                    out_hbm.at[pl.ds(c * N_PAD + s * RPT, RPT)])


def _acc_body(cpt, g_hbm, src_hbm, dst_hbm, out_hbm,
              src_v, dst_v, rows_v, zero_v, sem, acc_sh):
    c = lax.axis_index("c")
    s = lax.axis_index("s")
    wid = s * NC + c

    def fz(r, _):
        for q in range(D // 16):
            zero_v[r, pl.ds(q * 16, 16)] = jnp.zeros((16,), jnp.float32)
        return 0
    lax.fori_loop(0, CHUNK, fz, 0)
    for j in range(RPT // CHUNK):
        pltpu.sync_copy(zero_v, acc_sh.at[pl.ds(s * RPT + j * CHUNK, CHUNK)])
    plsc.subcore_barrier()

    base = wid * cpt * CHUNK

    def body(t, _):
        off = base + t * CHUNK
        pltpu.sync_copy(src_hbm.at[pl.ds(off, CHUNK)], src_v)
        pltpu.sync_copy(dst_hbm.at[pl.ds(off, CHUNK)], dst_v)
        pltpu.async_copy(g_hbm.at[src_v], rows_v, sem).wait()
        pltpu.sync_copy(rows_v, acc_sh.at[dst_v], add=True)
        return 0
    lax.fori_loop(0, cpt, body, 0)

    plsc.subcore_barrier()
    pltpu.sync_copy(acc_sh.at[pl.ds(s * RPT, RPT)],
                    out_hbm.at[pl.ds(c * N_PAD + s * RPT, RPT)])


def _make_hist(cpt):
    return pl.kernel(
        functools.partial(_hist_body, cpt),
        mesh=_mesh,
        out_type=jax.ShapeDtypeStruct((2 * N_PAD,), jnp.float32),
        scratch_types=[
            pltpu.VMEM((CHUNK,), jnp.int32),
            pltpu.VMEM((CHUNK,), jnp.float32),
            pltpu.VMEM((RPT,), jnp.float32),
            pltpu.VMEM_SHARED((N_PAD,), jnp.float32),
        ],
    )


def _make_acc(cpt):
    return pl.kernel(
        functools.partial(_acc_body, cpt),
        mesh=_mesh,
        out_type=jax.ShapeDtypeStruct((2 * N_PAD, D), jnp.float32),
        scratch_types=[
            pltpu.VMEM((CHUNK,), jnp.int32),
            pltpu.VMEM((CHUNK,), jnp.int32),
            pltpu.VMEM((CHUNK, D), jnp.float32),
            pltpu.VMEM((CHUNK, D), jnp.float32),
            pltpu.SemaphoreType.DMA,
            pltpu.VMEM_SHARED((N_PAD, D), jnp.float32),
        ],
    )


def _mm1_body(x_ref, w_ref, h0_ref, h1_ref, g_ref, ds_ref):
    i = pl.program_id(0)
    deg = 1.0 + h0_ref[...] + h1_ref[...]
    rows = lax.broadcasted_iota(jnp.int32, (BR, 1), 0) + i * BR
    ds = jnp.where(rows < N_NODES, lax.rsqrt(deg), 0.0)
    ds_ref[...] = ds
    g_ref[...] = jnp.dot(x_ref[...], w_ref[...],
                         preferred_element_type=jnp.float32) * ds


def _comb_mm_body(a0_ref, a1_ref, g_ref, ds_ref, b_ref, w_ref, out_ref):
    ds = ds_ref[...]
    z = ds * (a0_ref[...] + a1_ref[...] + g_ref[...]) + b_ref[...]
    z = jnp.maximum(z, 0.0)
    out_ref[...] = jnp.dot(z, w_ref[...],
                           preferred_element_type=jnp.float32) * ds


def _comb2_body(a0_ref, a1_ref, g_ref, ds_ref, b_ref, out_ref):
    out_ref[...] = (ds_ref[...] * (a0_ref[...] + a1_ref[...] + g_ref[...])
                    + b_ref[...])


def _row_spec(off):
    return pl.BlockSpec((BR, D), lambda i, o=off: (i + o, 0))


def _col_spec(off):
    return pl.BlockSpec((BR, 1), lambda i, o=off: (i + o, 0))


_full_w = pl.BlockSpec((D, D), lambda i: (0, 0))
_full_b = pl.BlockSpec((1, D), lambda i: (0, 0))


def _mm1(x_pad, W1, hist2):
    return pl.pallas_call(
        _mm1_body,
        grid=(GRID,),
        in_specs=[_row_spec(0), _full_w, _col_spec(0), _col_spec(GRID)],
        out_specs=[_row_spec(0), _col_spec(0)],
        out_shape=[jax.ShapeDtypeStruct((N_PAD, D), jnp.float32),
                   jax.ShapeDtypeStruct((N_PAD, 1), jnp.float32)],
    )(x_pad, W1, hist2, hist2)


def _comb_mm(acc2, g1, ds, b1, W2):
    return pl.pallas_call(
        _comb_mm_body,
        grid=(GRID,),
        in_specs=[_row_spec(0), _row_spec(GRID), _row_spec(0), _col_spec(0),
                  _full_b, _full_w],
        out_specs=_row_spec(0),
        out_shape=jax.ShapeDtypeStruct((N_PAD, D), jnp.float32),
    )(acc2, acc2, g1, ds, b1, W2)


def _comb2(acc2, g2, ds, b2):
    return pl.pallas_call(
        _comb2_body,
        grid=(GRID,),
        in_specs=[_row_spec(0), _row_spec(GRID), _row_spec(0), _col_spec(0),
                  _full_b],
        out_specs=_row_spec(0),
        out_shape=jax.ShapeDtypeStruct((N_PAD, D), jnp.float32),
    )(acc2, acc2, g2, ds, b2)


def kernel(x, edge_index, W1, b1, W2, b2):
    E = edge_index.shape[1]
    cpt = -(-E // (NW * CHUNK))
    e_pad = NW * cpt * CHUNK
    n_extra = N_PAD - N_NODES

    ei = edge_index.astype(jnp.int32)
    pad_rows = (N_NODES
                + jnp.arange(e_pad - E, dtype=jnp.int32) % n_extra)
    src = jnp.concatenate([ei[0], pad_rows])
    dst = jnp.concatenate([ei[1], pad_rows])

    x_pad = jnp.pad(x, ((0, n_extra), (0, 0)))
    b1r = b1.reshape(1, D)
    b2r = b2.reshape(1, D)

    hist = _make_hist(cpt)(dst)
    hist2 = hist.reshape(2 * N_PAD, 1)

    g1, ds = _mm1(x_pad, W1, hist2)
    acc1 = _make_acc(cpt)(g1, src, dst)
    g2 = _comb_mm(acc1, g1, ds, b1r, W2)
    acc2 = _make_acc(cpt)(g2, src, dst)
    out = _comb2(acc2, g2, ds, b2r)
    return out[:N_NODES]

# --- scband reference (transcript-rebuilt; emitter-appended) ---
"""Pipeline reference for scband-gnn-15109694948150 (READ-ONLY COPY).

The authoritative reference and input builder live on the scoring server;
editing this copy changes nothing except your own understanding.
"""

import jax, jax.numpy as jnp
import numpy as np

N_NODES = 10000
N_EDGES = 320000
D_IN = 128
D_HID = 128
D_OUT = 128


def gcn_conv(x, edge_index, W, b):
    N = x.shape[0]
    src = edge_index[0]
    dst = edge_index[1]
    # add self-loops (PyG GCNConv default add_self_loops=True)
    loop = jnp.arange(N, dtype=edge_index.dtype)
    src = jnp.concatenate([src, loop])
    dst = jnp.concatenate([dst, loop])
    # symmetric normalization: deg computed on dst with unit edge weights
    deg = jnp.zeros((N,), dtype=x.dtype).at[dst].add(1.0)
    deg_inv_sqrt = jnp.where(deg > 0, jax.lax.rsqrt(jnp.maximum(deg, 1e-12)), 0.0)
    norm = deg_inv_sqrt[src] * deg_inv_sqrt[dst]
    # linear transform then gather / scatter-add aggregation
    h = x @ W
    msg = h[src] * norm[:, None]
    out = jnp.zeros((N, W.shape[1]), dtype=x.dtype).at[dst].add(msg)
    return out + b


def setup_inputs(seed: int = 0) -> dict:
    key = jax.random.key(seed)
    k_x, k_e, k_w1, k_w2 = jax.random.split(key, 4)
    x = jax.random.normal(k_x, (N_NODES, D_IN), dtype=jnp.float32)
    edge_index = jax.random.randint(k_e, (2, N_EDGES), 0, N_NODES, dtype=jnp.int64)
    s1 = 1.0 / np.sqrt(D_IN)
    s2 = 1.0 / np.sqrt(D_HID)
    W1 = jax.random.uniform(k_w1, (D_IN, D_HID), minval=-s1, maxval=s1, dtype=jnp.float32)
    b1 = jnp.zeros((D_HID,), dtype=jnp.float32)
    W2 = jax.random.uniform(k_w2, (D_HID, D_OUT), minval=-s2, maxval=s2, dtype=jnp.float32)
    b2 = jnp.zeros((D_OUT,), dtype=jnp.float32)
    return {"x": x, "edge_index": edge_index, "W1": W1, "b1": b1, "W2": W2, "b2": b2}


def reference(x, edge_index, W1, b1, W2, b2):
    h = gcn_conv(x, edge_index, W1, b1)
    h = jax.nn.relu(h)
    out = gcn_conv(h, edge_index, W2, b2)
    return out

if __name__ == "__main__":
    import jax
    _d = setup_inputs()
    print(jax.jit(kernel)(*tuple(_d.values())))

</pallas_src>

<mosaic_0001>
#map = affine_map<(d0, d1) -> (0, 0)>
#map1 = affine_map<(d0, d1) -> (0)>
module attributes {stable_mosaic.version = 14 : i64} {
  func.func @_acc_body(%arg0: i32, %arg1: i32, %arg2: memref<10240x128xf32, #tpu.memory_space<hbm>>, %arg3: memref<323584xi32, #tpu.memory_space<hbm>>, %arg4: memref<323584xi32, #tpu.memory_space<hbm>>, %arg5: memref<20480x128xf32, #tpu.memory_space<hbm>>, %arg6: memref<128xi32, #tpu.memory_space<vmem>>, %arg7: memref<128xi32, #tpu.memory_space<vmem>>, %arg8: memref<128x128xf32, #tpu.memory_space<vmem>>, %arg9: memref<128x128xf32, #tpu.memory_space<vmem>>, %arg10: memref<!tpu.dma_semaphore, #tpu.memory_space<semaphore_mem>>, %arg11: memref<10240x128xf32, #tpu.memory_space<vmem_shared>>) attributes {dimension_semantics = [#tpu.dimension_semantics<core_parallel>, #tpu.dimension_semantics<subcore_parallel>], iteration_bounds = array<i64: 2, 16>, scalar_prefetch = 0 : i64, scratch_operands = 6 : i64, tpu.core_type = #tpu.core_type<sc_vector_subcore>, window_params = [{transform_indices = #map}, {transform_indices = #map1}, {transform_indices = #map1}, {transform_indices = #map}]} {
    %mul3A = arith.constant 2 : i32
    %mul3A_0 = arith.muli %arg1, %mul3A : i32
    %add3A = arith.addi %mul3A_0, %arg0 : i32
    %scan3A = arith.constant 0 : i32
    %scan3A_1 = arith.constant 0 : i32
    %scan3A_2 = arith.constant 128 : i32
    %scan3A_3 = arith.addi %scan3A_1, %scan3A_2 : i32
    %scan3A_4 = arith.constant 1 : i32
    %scan3A_5 = scf.for %scan3A_46 = %scan3A_1 to %scan3A_3 step %scan3A_4 iter_args(%scan3A_47 = %scan3A) -> (i32)  : i32 {
      %broadcast_in_dim3A = arith.constant 0.000000e+00 : f32
      %broadcast_in_dim3A_48 = vector.broadcast %broadcast_in_dim3A : f32 to vector<16xf32>
      %swap3A = arith.index_cast %scan3A_46 : i32 to index
      %swap3A_49 = arith.constant 0 : index
      %swap3A_50 = tpu.vector_load %arg9[%swap3A, %swap3A_49] {strides = array<i32>} : memref<128x128xf32, #tpu.memory_space<vmem>>, vector<1x16xf32>,
      %swap3A_51 = vector.shape_cast %swap3A_50 : vector<1x16xf32> to vector<16xf32>
      %swap3A_52 = vector.shape_cast %broadcast_in_dim3A_48 : vector<16xf32> to vector<1x16xf32>
      tpu.vector_store %arg9[%swap3A, %swap3A_49], %swap3A_52 {strides = array<i32>} : memref<128x128xf32, #tpu.memory_space<vmem>>, vector<1x16xf32>,
      %broadcast_in_dim3A_53 = arith.constant 0.000000e+00 : f32
      %broadcast_in_dim3A_54 = vector.broadcast %broadcast_in_dim3A_53 : f32 to vector<16xf32>
      %swap3A_55 = arith.index_cast %scan3A_46 : i32 to index
      %swap3A_56 = arith.constant 16 : index
      %swap3A_57 = tpu.vector_load %arg9[%swap3A_55, %swap3A_56] {strides = array<i32>} : memref<128x128xf32, #tpu.memory_space<vmem>>, vector<1x16xf32>,
      %swap3A_58 = vector.shape_cast %swap3A_57 : vector<1x16xf32> to vector<16xf32>
      %swap3A_59 = vector.shape_cast %broadcast_in_dim3A_54 : vector<16xf32> to vector<1x16xf32>
      tpu.vector_store %arg9[%swap3A_55, %swap3A_56], %swap3A_59 {strides = array<i32>} : memref<128x128xf32, #tpu.memory_space<vmem>>, vector<1x16xf32>,
      %broadcast_in_dim3A_60 = arith.constant 0.000000e+00 : f32
      %broadcast_in_dim3A_61 = vector.broadcast %broadcast_in_dim3A_60 : f32 to vector<16xf32>
      %swap3A_62 = arith.index_cast %scan3A_46 : i32 to index
      %swap3A_63 = arith.constant 32 : index
      %swap3A_64 = tpu.vector_load %arg9[%swap3A_62, %swap3A_63] {strides = array<i32>} : memref<128x128xf32, #tpu.memory_space<vmem>>, vector<1x16xf32>,
      %swap3A_65 = vector.shape_cast %swap3A_64 : vector<1x16xf32> to vector<16xf32>
      %swap3A_66 = vector.shape_cast %broadcast_in_dim3A_61 : vector<16xf32> to vector<1x16xf32>
      tpu.vector_store %arg9[%swap3A_62, %swap3A_63], %swap3A_66 {strides = array<i32>} : memref<128x128xf32, #tpu.memory_space<vmem>>, vector<1x16xf32>,
      %broadcast_in_dim3A_67 = arith.constant 0.000000e+00 : f32
      %broadcast_in_dim3A_68 = vector.broadcast %broadcast_in_dim3A_67 : f32 to vector<16xf32>
      %swap3A_69 = arith.index_cast %scan3A_46 : i32 to index
      %swap3A_70 = arith.constant 48 : index
      %swap3A_71 = tpu.vector_load %arg9[%swap3A_69, %swap3A_70] {strides = array<i32>} : memref<128x128xf32, #tpu.memory_space<vmem>>, vector<1x16xf32>,
      %swap3A_72 = vector.shape_cast %swap3A_71 : vector<1x16xf32> to vector<16xf32>
      %swap3A_73 = vector.shape_cast %broadcast_in_dim3A_68 : vector<16xf32> to vector<1x16xf32>
      tpu.vector_store %arg9[%swap3A_69, %swap3A_70], %swap3A_73 {strides = array<i32>} : memref<128x128xf32, #tpu.memory_space<vmem>>, vector<1x16xf32>,
      %broadcast_in_dim3A_74 = arith.constant 0.000000e+00 : f32
      %broadcast_in_dim3A_75 = vector.broadcast %broadcast_in_dim3A_74 : f32 to vector<16xf32>
      %swap3A_76 = arith.index_cast %scan3A_46 : i32 to index
      %swap3A_77 = arith.constant 64 : index
      %swap3A_78 = tpu.vector_load %arg9[%swap3A_76, %swap3A_77] {strides = array<i32>} : memref<128x128xf32, #tpu.memory_space<vmem>>, vector<1x16xf32>,
      %swap3A_79 = vector.shape_cast %swap3A_78 : vector<1x16xf32> to vector<16xf32>
      %swap3A_80 = vector.shape_cast %broadcast_in_dim3A_75 : vector<16xf32> to vector<1x16xf32>
      tpu.vector_store %arg9[%swap3A_76, %swap3A_77], %swap3A_80 {strides = array<i32>} : memref<128x128xf32, #tpu.memory_space<vmem>>, vector<1x16xf32>,
      %broadcast_in_dim3A_81 = arith.constant 0.000000e+00 : f32
      %broadcast_in_dim3A_82 = vector.broadcast %broadcast_in_dim3A_81 : f32 to vector<16xf32>
      %swap3A_83 = arith.index_cast %scan3A_46 : i32 to index
      %swap3A_84 = arith.constant 80 : index
      %swap3A_85 = tpu.vector_load %arg9[%swap3A_83, %swap3A_84] {strides = array<i32>} : memref<128x128xf32, #tpu.memory_space<vmem>>, vector<1x16xf32>,
      %swap3A_86 = vector.shape_cast %swap3A_85 : vector<1x16xf32> to vector<16xf32>
      %swap3A_87 = vector.shape_cast %broadcast_in_dim3A_82 : vector<16xf32> to vector<1x16xf32>
      tpu.vector_store %arg9[%swap3A_83, %swap3A_84], %swap3A_87 {strides = array<i32>} : memref<128x128xf32, #tpu.memory_space<vmem>>, vector<1x16xf32>,
      %broadcast_in_dim3A_88 = arith.constant 0.000000e+00 : f32
      %broadcast_in_dim3A_89 = vector.broadcast %broadcast_in_dim3A_88 : f32 to vector<16xf32>
      %swap3A_90 = arith.index_cast %scan3A_46 : i32 to index
      %swap3A_91 = arith.constant 96 : index
      %swap3A_92 = tpu.vector_load %arg9[%swap3A_90, %swap3A_91] {strides = array<i32>} : memref<128x128xf32, #tpu.memory_space<vmem>>, vector<1x16xf32>,
      %swap3A_93 = vector.shape_cast %swap3A_92 : vector<1x16xf32> to vector<16xf32>
      %swap3A_94 = vector.shape_cast %broadcast_in_dim3A_89 : vector<16xf32> to vector<1x16xf32>
      tpu.vector_store %arg9[%swap3A_90, %swap3A_91], %swap3A_94 {strides = array<i32>} : memref<128x128xf32, #tpu.memory_space<vmem>>, vector<1x16xf32>,
      %broadcast_in_dim3A_95 = arith.constant 0.000000e+00 : f32
      %broadcast_in_dim3A_96 = vector.broadcast %broadcast_in_dim3A_95 : f32 to vector<16xf32>
      %swap3A_97 = arith.index_cast %scan3A_46 : i32 to index
      %swap3A_98 = arith.constant 112 : index
      %swap3A_99 = tpu.vector_load %arg9[%swap3A_97, %swap3A_98] {strides = array<i32>} : memref<128x128xf32, #tpu.memory_space<vmem>>, vector<1x16xf32>,
      %swap3A_100 = vector.shape_cast %swap3A_99 : vector<1x16xf32> to vector<16xf32>
      %swap3A_101 = vector.shape_cast %broadcast_in_dim3A_96 : vector<16xf32> to vector<1x16xf32>
      tpu.vector_store %arg9[%swap3A_97, %swap3A_98], %swap3A_101 {strides = array<i32>} : memref<128x128xf32, #tpu.memory_space<vmem>>, vector<1x16xf32>,
      %scan3A_102 = arith.constant 0 : i32
      scf.yield %scan3A_102 : i32
    }
    %scan3A_6 = arith.constant 128 : i32
    %mul3A_7 = arith.constant 640 : i32
    %mul3A_8 = arith.muli %arg1, %mul3A_7 : i32
    %add3A_9 = arith.constant 0 : i32
    %add3A_10 = arith.addi %mul3A_8, %add3A_9 : i32
    "tpu.region"() ({
      %run_scoped3A = tpu.sem_alloc : memref<!tpu.dma_semaphore, #tpu.memory_space<semaphore_mem>>
      %dma_start3A = arith.constant 0 : i32
      %dma_start3A_46 = tpu.memref_slice %arg11[%add3A_10, %dma_start3A] : memref<10240x128xf32, #tpu.memory_space<vmem_shared>> -> memref<128x128xf32, #tpu.memory_space<vmem_shared>>
      %dma_start3A_47 = arith.constant 0 : i32
      %dma_start3A_48 = tpu.memref_slice %arg11[%add3A_10, %dma_start3A_47] : memref<10240x128xf32, #tpu.memory_space<vmem_shared>> -> memref<128x128xf32, #tpu.memory_space<vmem_shared>>
      tpu.enqueue_dma source(%arg9 : memref<128x128xf32, #tpu.memory_space<vmem>>) target(%dma_start3A_48 : memref<128x128xf32, #tpu.memory_space<vmem_shared>>) target_semaphore(%run_scoped3A : memref<!tpu.dma_semaphore, #tpu.memory_space<semaphore_mem>>)
      %dma_wait3A = arith.constant 0 : i32
      %dma_wait3A_49 = tpu.memref_slice %arg11[%add3A_10, %dma_wait3A] : memref<10240x128xf32, #tpu.memory_space<vmem_shared>> -> memref<128x128xf32, #tpu.memory_space<vmem_shared>>
      %dma_wait3A_50 = arith.constant 0 : i32
      %dma_wait3A_51 = tpu.memref_slice %arg11[%add3A_10, %dma_wait3A_50] : memref<10240x128xf32, #tpu.memory_space<vmem_shared>> -> memref<128x128xf32, #tpu.memory_space<vmem_shared>>
      tpu.wait_dma2 semaphore(%run_scoped3A : memref<!tpu.dma_semaphore, #tpu.memory_space<semaphore_mem>>) src(%arg9 : memref<128x128xf32, #tpu.memory_space<vmem>>) dst(%dma_wait3A_51 : memref<128x128xf32, #tpu.memory_space<vmem_shared>>)
      tpu.yield
    }) : () -> ()
    %mul3A_11 = arith.constant 640 : i32
    %mul3A_12 = arith.muli %arg1, %mul3A_11 : i32
    %add3A_13 = arith.constant 128 : i32
    %add3A_14 = arith.addi %mul3A_12, %add3A_13 : i32
    "tpu.region"() ({
      %run_scoped3A = tpu.sem_alloc : memref<!tpu.dma_semaphore, #tpu.memory_space<semaphore_mem>>
      %dma_start3A = arith.constant 0 : i32
      %dma_start3A_46 = tpu.memref_slice %arg11[%add3A_14, %dma_start3A] : memref<10240x128xf32, #tpu.memory_space<vmem_shared>> -> memref<128x128xf32, #tpu.memory_space<vmem_shared>>
      %dma_start3A_47 = arith.constant 0 : i32
      %dma_start3A_48 = tpu.memref_slice %arg11[%add3A_14, %dma_start3A_47] : memref<10240x128xf32, #tpu.memory_space<vmem_shared>> -> memref<128x128xf32, #tpu.memory_space<vmem_shared>>
      tpu.enqueue_dma source(%arg9 : memref<128x128xf32, #tpu.memory_space<vmem>>) target(%dma_start3A_48 : memref<128x128xf32, #tpu.memory_space<vmem_shared>>) target_semaphore(%run_scoped3A : memref<!tpu.dma_semaphore, #tpu.memory_space<semaphore_mem>>)
      %dma_wait3A = arith.constant 0 : i32
      %dma_wait3A_49 = tpu.memref_slice %arg11[%add3A_14, %dma_wait3A] : memref<10240x128xf32, #tpu.memory_space<vmem_shared>> -> memref<128x128xf32, #tpu.memory_space<vmem_shared>>
      %dma_wait3A_50 = arith.constant 0 : i32
      %dma_wait3A_51 = tpu.memref_slice %arg11[%add3A_14, %dma_wait3A_50] : memref<10240x128xf32, #tpu.memory_space<vmem_shared>> -> memref<128x128xf32, #tpu.memory_space<vmem_shared>>
      tpu.wait_dma2 semaphore(%run_scoped3A : memref<!tpu.dma_semaphore, #tpu.memory_space<semaphore_mem>>) src(%arg9 : memref<128x128xf32, #tpu.memory_space<vmem>>) dst(%dma_wait3A_51 : memref<128x128xf32, #tpu.memory_space<vmem_shared>>)
      tpu.yield
    }) : () -> ()
    %mul3A_15 = arith.constant 640 : i32
    %mul3A_16 = arith.muli %arg1, %mul3A_15 : i32
    %add3A_17 = arith.constant 256 : i32
    %add3A_18 = arith.addi %mul3A_16, %add3A_17 : i32
    "tpu.region"() ({
      %run_scoped3A = tpu.sem_alloc : memref<!tpu.dma_semaphore, #tpu.memory_space<semaphore_mem>>
      %dma_start3A = arith.constant 0 : i32
      %dma_start3A_46 = tpu.memref_slice %arg11[%add3A_18, %dma_start3A] : memref<10240x128xf32, #tpu.memory_space<vmem_shared>> -> memref<128x128xf32, #tpu.memory_space<vmem_shared>>
      %dma_start3A_47 = arith.constant 0 : i32
      %dma_start3A_48 = tpu.memref_slice %arg11[%add3A_18, %dma_start3A_47] : memref<10240x128xf32, #tpu.memory_space<vmem_shared>> -> memref<128x128xf32, #tpu.memory_space<vmem_shared>>
      tpu.enqueue_dma source(%arg9 : memref<128x128xf32, #tpu.memory_space<vmem>>) target(%dma_start3A_48 : memref<128x128xf32, #tpu.memory_space<vmem_shared>>) target_semaphore(%run_scoped3A : memref<!tpu.dma_semaphore, #tpu.memory_space<semaphore_mem>>)
      %dma_wait3A = arith.constant 0 : i32
      %dma_wait3A_49 = tpu.memref_slice %arg11[%add3A_18, %dma_wait3A] : memref<10240x128xf32, #tpu.memory_space<vmem_shared>> -> memref<128x128xf32, #tpu.memory_space<vmem_shared>>
      %dma_wait3A_50 = arith.constant 0 : i32
      %dma_wait3A_51 = tpu.memref_slice %arg11[%add3A_18, %dma_wait3A_50] : memref<10240x128xf32, #tpu.memory_space<vmem_shared>> -> memref<128x128xf32, #tpu.memory_space<vmem_shared>>
      tpu.wait_dma2 semaphore(%run_scoped3A : memref<!tpu.dma_semaphore, #tpu.memory_space<semaphore_mem>>) src(%arg9 : memref<128x128xf32, #tpu.memory_space<vmem>>) dst(%dma_wait3A_51 : memref<128x128xf32, #tpu.memory_space<vmem_shared>>)
      tpu.yield
    }) : () -> ()
    %mul3A_19 = arith.constant 640 : i32
    %mul3A_20 = arith.muli %arg1, %mul3A_19 : i32
    %add3A_21 = arith.constant 384 : i32
    %add3A_22 = arith.addi %mul3A_20, %add3A_21 : i32
    "tpu.region"() ({
      %run_scoped3A = tpu.sem_alloc : memref<!tpu.dma_semaphore, #tpu.memory_space<semaphore_mem>>
      %dma_start3A = arith.constant 0 : i32
      %dma_start3A_46 = tpu.memref_slice %arg11[%add3A_22, %dma_start3A] : memref<10240x128xf32, #tpu.memory_space<vmem_shared>> -> memref<128x128xf32, #tpu.memory_space<vmem_shared>>
      %dma_start3A_47 = arith.constant 0 : i32
      %dma_start3A_48 = tpu.memref_slice %arg11[%add3A_22, %dma_start3A_47] : memref<10240x128xf32, #tpu.memory_space<vmem_shared>> -> memref<128x128xf32, #tpu.memory_space<vmem_shared>>
      tpu.enqueue_dma source(%arg9 : memref<128x128xf32, #tpu.memory_space<vmem>>) target(%dma_start3A_48 : memref<128x128xf32, #tpu.memory_space<vmem_shared>>) target_semaphore(%run_scoped3A : memref<!tpu.dma_semaphore, #tpu.memory_space<semaphore_mem>>)
      %dma_wait3A = arith.constant 0 : i32
      %dma_wait3A_49 = tpu.memref_slice %arg11[%add3A_22, %dma_wait3A] : memref<10240x128xf32, #tpu.memory_space<vmem_shared>> -> memref<128x128xf32, #tpu.memory_space<vmem_shared>>
      %dma_wait3A_50 = arith.constant 0 : i32
      %dma_wait3A_51 = tpu.memref_slice %arg11[%add3A_22, %dma_wait3A_50] : memref<10240x128xf32, #tpu.memory_space<vmem_shared>> -> memref<128x128xf32, #tpu.memory_space<vmem_shared>>
      tpu.wait_dma2 semaphore(%run_scoped3A : memref<!tpu.dma_semaphore, #tpu.memory_space<semaphore_mem>>) src(%arg9 : memref<128x128xf32, #tpu.memory_space<vmem>>) dst(%dma_wait3A_51 : memref<128x128xf32, #tpu.memory_space<vmem_shared>>)
      tpu.yield
    }) : () -> ()
    %mul3A_23 = arith.constant 640 : i32
    %mul3A_24 = arith.muli %arg1, %mul3A_23 : i32
    %add3A_25 = arith.constant 512 : i32
    %add3A_26 = arith.addi %mul3A_24, %add3A_25 : i32
    "tpu.region"() ({
      %run_scoped3A = tpu.sem_alloc : memref<!tpu.dma_semaphore, #tpu.memory_space<semaphore_mem>>
      %dma_start3A = arith.constant 0 : i32
      %dma_start3A_46 = tpu.memref_slice %arg11[%add3A_26, %dma_start3A] : memref<10240x128xf32, #tpu.memory_space<vmem_shared>> -> memref<128x128xf32, #tpu.memory_space<vmem_shared>>
      %dma_start3A_47 = arith.constant 0 : i32
      %dma_start3A_48 = tpu.memref_slice %arg11[%add3A_26, %dma_start3A_47] : memref<10240x128xf32, #tpu.memory_space<vmem_shared>> -> memref<128x128xf32, #tpu.memory_space<vmem_shared>>
      tpu.enqueue_dma source(%arg9 : memref<128x128xf32, #tpu.memory_space<vmem>>) target(%dma_start3A_48 : memref<128x128xf32, #tpu.memory_space<vmem_shared>>) target_semaphore(%run_scoped3A : memref<!tpu.dma_semaphore, #tpu.memory_space<semaphore_mem>>)
      %dma_wait3A = arith.constant 0 : i32
      %dma_wait3A_49 = tpu.memref_slice %arg11[%add3A_26, %dma_wait3A] : memref<10240x128xf32, #tpu.memory_space<vmem_shared>> -> memref<128x128xf32, #tpu.memory_space<vmem_shared>>
      %dma_wait3A_50 = arith.constant 0 : i32
      %dma_wait3A_51 = tpu.memref_slice %arg11[%add3A_26, %dma_wait3A_50] : memref<10240x128xf32, #tpu.memory_space<vmem_shared>> -> memref<128x128xf32, #tpu.memory_space<vmem_shared>>
      tpu.wait_dma2 semaphore(%run_scoped3A : memref<!tpu.dma_semaphore, #tpu.memory_space<semaphore_mem>>) src(%arg9 : memref<128x128xf32, #tpu.memory_space<vmem>>) dst(%dma_wait3A_51 : memref<128x128xf32, #tpu.memory_space<vmem_shared>>)
      tpu.yield
    }) : () -> ()
    %barrier3A = arith.constant 0 : index
    tpu.barrier barrier_id(%barrier3A)
    %mul3A_27 = arith.constant 79 : i32
    %mul3A_28 = arith.muli %add3A, %mul3A_27 : i32
    %mul3A_29 = arith.constant 128 : i32
    %mul3A_30 = arith.muli %mul3A_28, %mul3A_29 : i32
    %scan3A_31 = arith.constant 0 : i32
    %scan3A_32 = arith.constant 0 : i32
    %scan3A_33 = arith.constant 79 : i32
    %scan3A_34 = arith.addi %scan3A_32, %scan3A_33 : i32
    %scan3A_35 = arith.constant 1 : i32
    %scan3A_36 = scf.for %scan3A_46 = %scan3A_32 to %scan3A_34 step %scan3A_35 iter_args(%scan3A_47 = %scan3A_31) -> (i32)  : i32 {
      %mul3A_48 = arith.constant 128 : i32
      %mul3A_49 = arith.muli %scan3A_46, %mul3A_48 : i32
      %add3A_50 = arith.addi %mul3A_30, %mul3A_49 : i32
      "tpu.region"() ({
        %run_scoped3A = tpu.sem_alloc : memref<!tpu.dma_semaphore, #tpu.memory_space<semaphore_mem>>
        %dma_start3A_56 = tpu.memref_slice %arg3[%add3A_50] : memref<323584xi32, #tpu.memory_space<hbm>> -> memref<128xi32, #tpu.memory_space<hbm>>
        %dma_start3A_57 = tpu.memref_slice %arg3[%add3A_50] : memref<323584xi32, #tpu.memory_space<hbm>> -> memref<128xi32, #tpu.memory_space<hbm>>
        tpu.enqueue_dma source(%dma_start3A_57 : memref<128xi32, #tpu.memory_space<hbm>>) target(%arg6 : memref<128xi32, #tpu.memory_space<vmem>>) target_semaphore(%run_scoped3A : memref<!tpu.dma_semaphore, #tpu.memory_space<semaphore_mem>>)
        %dma_wait3A_58 = tpu.memref_slice %arg3[%add3A_50] : memref<323584xi32, #tpu.memory_space<hbm>> -> memref<128xi32, #tpu.memory_space<hbm>>
        %dma_wait3A_59 = tpu.memref_slice %arg3[%add3A_50] : memref<323584xi32, #tpu.memory_space<hbm>> -> memref<128xi32, #tpu.memory_space<hbm>>
        tpu.wait_dma2 semaphore(%run_scoped3A : memref<!tpu.dma_semaphore, #tpu.memory_space<semaphore_mem>>) src(%dma_wait3A_59 : memref<128xi32, #tpu.memory_space<hbm>>) dst(%arg6 : memref<128xi32, #tpu.memory_space<vmem>>)
        tpu.yield
      }) : () -> ()
      "tpu.region"() ({
        %run_scoped3A = tpu.sem_alloc : memref<!tpu.dma_semaphore, #tpu.memory_space<semaphore_mem>>
        %dma_start3A_56 = tpu.memref_slice %arg4[%add3A_50] : memref<323584xi32, #tpu.memory_space<hbm>> -> memref<128xi32, #tpu.memory_space<hbm>>
        %dma_start3A_57 = tpu.memref_slice %arg4[%add3A_50] : memref<323584xi32, #tpu.memory_space<hbm>> -> memref<128xi32, #tpu.memory_space<hbm>>
        tpu.enqueue_dma source(%dma_start3A_57 : memref<128xi32, #tpu.memory_space<hbm>>) target(%arg7 : memref<128xi32, #tpu.memory_space<vmem>>) target_semaphore(%run_scoped3A : memref<!tpu.dma_semaphore, #tpu.memory_space<semaphore_mem>>)
        %dma_wait3A_58 = tpu.memref_slice %arg4[%add3A_50] : memref<323584xi32, #tpu.memory_space<hbm>> -> memref<128xi32, #tpu.memory_space<hbm>>
        %dma_wait3A_59 = tpu.memref_slice %arg4[%add3A_50] : memref<323584xi32, #tpu.memory_space<hbm>> -> memref<128xi32, #tpu.memory_space<hbm>>
        tpu.wait_dma2 semaphore(%run_scoped3A : memref<!tpu.dma_semaphore, #tpu.memory_space<semaphore_mem>>) src(%dma_wait3A_59 : memref<128xi32, #tpu.memory_space<hbm>>) dst(%arg7 : memref<128xi32, #tpu.memory_space<vmem>>)
        tpu.yield
      }) : () -> ()
      %dma_start3A = arith.constant 0 : i32
      %dma_start3A_51 = arith.constant 0 : i32
      %dma_start3A_52 = tpu.memref_slice %arg2[%dma_start3A, %dma_start3A_51] : memref<10240x128xf32, #tpu.memory_space<hbm>> -> memref<10240x128xf32, #tpu.memory_space<hbm>>
      tpu.enqueue_indirect_dma source(%dma_start3A_52 : memref<10240x128xf32, #tpu.memory_space<hbm>>) target(%arg8 : memref<128x128xf32, #tpu.memory_space<vmem>>) offsets(%arg6 : memref<128xi32, #tpu.memory_space<vmem>>) semaphore(%arg10 : memref<!tpu.dma_semaphore, #tpu.memory_space<semaphore_mem>>)
      %dma_wait3A = arith.constant 0 : i32
      %dma_wait3A_53 = arith.constant 0 : i32
      %dma_wait3A_54 = tpu.memref_slice %arg2[%dma_wait3A, %dma_wait3A_53] : memref<10240x128xf32, #tpu.memory_space<hbm>> -> memref<10240x128xf32, #tpu.memory_space<hbm>>
      tpu.wait_indirect_dma semaphore(%arg10 : memref<!tpu.dma_semaphore, #tpu.memory_space<semaphore_mem>>) src(%dma_wait3A_54 : memref<10240x128xf32, #tpu.memory_space<hbm>>) dst(%arg8 : memref<128x128xf32, #tpu.memory_space<vmem>>)
      "tpu.region"() ({
        %run_scoped3A = tpu.sem_alloc : memref<!tpu.dma_semaphore, #tpu.memory_space<semaphore_mem>>
        %dma_start3A_56 = arith.constant 0 : i32
        %dma_start3A_57 = arith.constant 0 : i32
        %dma_start3A_58 = tpu.memref_slice %arg11[%dma_start3A_56, %dma_start3A_57] : memref<10240x128xf32, #tpu.memory_space<vmem_shared>> -> memref<10240x128xf32, #tpu.memory_space<vmem_shared>>
        tpu.enqueue_indirect_dma source(%arg8 : memref<128x128xf32, #tpu.memory_space<vmem>>) target(%dma_start3A_58 : memref<10240x128xf32, #tpu.memory_space<vmem_shared>>) offsets(%arg7 : memref<128xi32, #tpu.memory_space<vmem>>) semaphore(%run_scoped3A : memref<!tpu.dma_semaphore, #tpu.memory_space<semaphore_mem>>) {add = true}
        %dma_wait3A_59 = arith.constant 0 : i32
        %dma_wait3A_60 = arith.constant 0 : i32
        %dma_wait3A_61 = tpu.memref_slice %arg11[%dma_wait3A_59, %dma_wait3A_60] : memref<10240x128xf32, #tpu.memory_space<vmem_shared>> -> memref<10240x128xf32, #tpu.memory_space<vmem_shared>>
        tpu.wait_indirect_dma semaphore(%run_scoped3A : memref<!tpu.dma_semaphore, #tpu.memory_space<semaphore_mem>>) src(%arg8 : memref<128x128xf32, #tpu.memory_space<vmem>>) dst(%dma_wait3A_61 : memref<10240x128xf32, #tpu.memory_space<vmem_shared>>)
        tpu.yield
      }) : () -> ()
      %scan3A_55 = arith.constant 0 : i32
      scf.yield %scan3A_55 : i32
    }
    %scan3A_37 = arith.constant 79 : i32
    %barrier3A_38 = arith.constant 0 : index
    tpu.barrier barrier_id(%barrier3A_38)
    %mul3A_39 = arith.constant 640 : i32
    %mul3A_40 = arith.muli %arg1, %mul3A_39 : i32
    %mul3A_41 = arith.constant 10240 : i32
    %mul3A_42 = arith.muli %arg0, %mul3A_41 : i32
    %mul3A_43 = arith.constant 640 : i32
    %mul3A_44 = arith.muli %arg1, %mul3A_43 : i32
    %add3A_45 = arith.addi %mul3A_42, %mul3A_44 : i32
    "tpu.region"() ({
      %run_scoped3A = tpu.sem_alloc : memref<!tpu.dma_semaphore, #tpu.memory_space<semaphore_mem>>
      %dma_start3A = arith.constant 0 : i32
      %dma_start3A_46 = tpu.memref_slice %arg5[%add3A_45, %dma_start3A] : memref<20480x128xf32, #tpu.memory_space<hbm>> -> memref<640x128xf32, #tpu.memory_space<hbm>>
      %dma_start3A_47 = arith.constant 0 : i32
      %dma_start3A_48 = tpu.memref_slice %arg11[%mul3A_40, %dma_start3A_47] : memref<10240x128xf32, #tpu.memory_space<vmem_shared>> -> memref<640x128xf32, #tpu.memory_space<vmem_shared>>
      tpu.enqueue_dma source(%dma_start3A_48 : memref<640x128xf32, #tpu.memory_space<vmem_shared>>) target(%dma_start3A_46 : memref<640x128xf32, #tpu.memory_space<hbm>>) target_semaphore(%run_scoped3A : memref<!tpu.dma_semaphore, #tpu.memory_space<semaphore_mem>>)
      %dma_wait3A = arith.constant 0 : i32
      %dma_wait3A_49 = tpu.memref_slice %arg5[%add3A_45, %dma_wait3A] : memref<20480x128xf32, #tpu.memory_space<hbm>> -> memref<640x128xf32, #tpu.memory_space<hbm>>
      %dma_wait3A_50 = arith.constant 0 : i32
      %dma_wait3A_51 = tpu.memref_slice %arg11[%mul3A_40, %dma_wait3A_50] : memref<10240x128xf32, #tpu.memory_space<vmem_shared>> -> memref<640x128xf32, #tpu.memory_space<vmem_shared>>
      tpu.wait_dma2 semaphore(%run_scoped3A : memref<!tpu.dma_semaphore, #tpu.memory_space<semaphore_mem>>) src(%dma_wait3A_51 : memref<640x128xf32, #tpu.memory_space<vmem_shared>>) dst(%dma_wait3A_49 : memref<640x128xf32, #tpu.memory_space<hbm>>)
      tpu.yield
    }) : () -> ()
    return
  }
}

#map = affine_map<(d0, d1) -> (0)>
module attributes {stable_mosaic.version = 14 : i64} {
  func.func @_hist_body(%arg0: i32, %arg1: i32, %arg2: memref<323584xi32, #tpu.memory_space<hbm>>, %arg3: memref<20480xf32, #tpu.memory_space<hbm>>, %arg4: memref<128xi32, #tpu.memory_space<vmem>>, %arg5: memref<128xf32, #tpu.memory_space<vmem>>, %arg6: memref<640xf32, #tpu.memory_space<vmem>>, %arg7: memref<10240xf32, #tpu.memory_space<vmem_shared>>) attributes {dimension_semantics = [#tpu.dimension_semantics<core_parallel>, #tpu.dimension_semantics<subcore_parallel>], iteration_bounds = array<i64: 2, 16>, scalar_prefetch = 0 : i64, scratch_operands = 4 : i64, tpu.core_type = #tpu.core_type<sc_vector_subcore>, window_params = [{transform_indices = #map}, {transform_indices = #map}]} {
    %mul3A = arith.constant 2 : i32
    %mul3A_0 = arith.muli %arg1, %mul3A : i32
    %add3A = arith.addi %mul3A_0, %arg0 : i32
    %scan3A = arith.constant 0 : i32
    %scan3A_1 = arith.constant 0 : i32
    %scan3A_2 = arith.constant 8 : i32
    %scan3A_3 = arith.addi %scan3A_1, %scan3A_2 : i32
    %scan3A_4 = arith.constant 1 : i32
    %scan3A_5 = scf.for %scan3A_35 = %scan3A_1 to %scan3A_3 step %scan3A_4 iter_args(%scan3A_36 = %scan3A) -> (i32)  : i32 {
      %broadcast_in_dim3A = arith.constant 1.000000e+00 : f32
      %broadcast_in_dim3A_37 = vector.broadcast %broadcast_in_dim3A : f32 to vector<16xf32>
      %mul3A_38 = arith.constant 16 : i32
      %mul3A_39 = arith.muli %scan3A_35, %mul3A_38 : i32
      %swap3A = arith.index_cast %mul3A_39 : i32 to index
      %swap3A_40 = tpu.vector_load %arg5[%swap3A] {strides = array<i32>} : memref<128xf32, #tpu.memory_space<vmem>>, vector<16xf32>,
      %swap3A_41 = vector.shape_cast %swap3A_40 : vector<16xf32> to vector<16xf32>
      %swap3A_42 = vector.shape_cast %broadcast_in_dim3A_37 : vector<16xf32> to vector<16xf32>
      tpu.vector_store %arg5[%swap3A], %swap3A_42 {strides = array<i32>} : memref<128xf32, #tpu.memory_space<vmem>>, vector<16xf32>,
      %scan3A_43 = arith.constant 0 : i32
      scf.yield %scan3A_43 : i32
    }
    %scan3A_6 = arith.constant 8 : i32
    %scan3A_7 = arith.constant 0 : i32
    %scan3A_8 = arith.constant 0 : i32
    %scan3A_9 = arith.constant 40 : i32
    %scan3A_10 = arith.addi %scan3A_8, %scan3A_9 : i32
    %scan3A_11 = arith.constant 1 : i32
    %scan3A_12 = scf.for %scan3A_35 = %scan3A_8 to %scan3A_10 step %scan3A_11 iter_args(%scan3A_36 = %scan3A_7) -> (i32)  : i32 {
      %broadcast_in_dim3A = arith.constant 0.000000e+00 : f32
      %broadcast_in_dim3A_37 = vector.broadcast %broadcast_in_dim3A : f32 to vector<16xf32>
      %mul3A_38 = arith.constant 16 : i32
      %mul3A_39 = arith.muli %scan3A_35, %mul3A_38 : i32
      %swap3A = arith.index_cast %mul3A_39 : i32 to index
      %swap3A_40 = tpu.vector_load %arg6[%swap3A] {strides = array<i32>} : memref<640xf32, #tpu.memory_space<vmem>>, vector<16xf32>,
      %swap3A_41 = vector.shape_cast %swap3A_40 : vector<16xf32> to vector<16xf32>
      %swap3A_42 = vector.shape_cast %broadcast_in_dim3A_37 : vector<16xf32> to vector<16xf32>
      tpu.vector_store %arg6[%swap3A], %swap3A_42 {strides = array<i32>} : memref<640xf32, #tpu.memory_space<vmem>>, vector<16xf32>,
      %scan3A_43 = arith.constant 0 : i32
      scf.yield %scan3A_43 : i32
    }
    %scan3A_13 = arith.constant 40 : i32
    %mul3A_14 = arith.constant 640 : i32
    %mul3A_15 = arith.muli %arg1, %mul3A_14 : i32
    "tpu.region"() ({
      %run_scoped3A = tpu.sem_alloc : memref<!tpu.dma_semaphore, #tpu.memory_space<semaphore_mem>>
      %dma_start3A = tpu.memref_slice %arg7[%mul3A_15] : memref<10240xf32, #tpu.memory_space<vmem_shared>> -> memref<640xf32, #tpu.memory_space<vmem_shared>>
      %dma_start3A_35 = tpu.memref_slice %arg7[%mul3A_15] : memref<10240xf32, #tpu.memory_space<vmem_shared>> -> memref<640xf32, #tpu.memory_space<vmem_shared>>
      tpu.enqueue_dma source(%arg6 : memref<640xf32, #tpu.memory_space<vmem>>) target(%dma_start3A_35 : memref<640xf32, #tpu.memory_space<vmem_shared>>) target_semaphore(%run_scoped3A : memref<!tpu.dma_semaphore, #tpu.memory_space<semaphore_mem>>)
      %dma_wait3A = tpu.memref_slice %arg7[%mul3A_15] : memref<10240xf32, #tpu.memory_space<vmem_shared>> -> memref<640xf32, #tpu.memory_space<vmem_shared>>
      %dma_wait3A_36 = tpu.memref_slice %arg7[%mul3A_15] : memref<10240xf32, #tpu.memory_space<vmem_shared>> -> memref<640xf32, #tpu.memory_space<vmem_shared>>
      tpu.wait_dma2 semaphore(%run_scoped3A : memref<!tpu.dma_semaphore, #tpu.memory_space<semaphore_mem>>) src(%arg6 : memref<640xf32, #tpu.memory_space<vmem>>) dst(%dma_wait3A_36 : memref<640xf32, #tpu.memory_space<vmem_shared>>)
      tpu.yield
    }) : () -> ()
    %barrier3A = arith.constant 0 : index
    tpu.barrier barrier_id(%barrier3A)
    %mul3A_16 = arith.constant 79 : i32
    %mul3A_17 = arith.muli %add3A, %mul3A_16 : i32
    %mul3A_18 = arith.constant 128 : i32
    %mul3A_19 = arith.muli %mul3A_17, %mul3A_18 : i32
    %scan3A_20 = arith.constant 0 : i32
    %scan3A_21 = arith.constant 0 : i32
    %scan3A_22 = arith.constant 79 : i32
    %scan3A_23 = arith.addi %scan3A_21, %scan3A_22 : i32
    %scan3A_24 = arith.constant 1 : i32
    %scan3A_25 = scf.for %scan3A_35 = %scan3A_21 to %scan3A_23 step %scan3A_24 iter_args(%scan3A_36 = %scan3A_20) -> (i32)  : i32 {
      %mul3A_37 = arith.constant 128 : i32
      %mul3A_38 = arith.muli %scan3A_35, %mul3A_37 : i32
      %add3A_39 = arith.addi %mul3A_19, %mul3A_38 : i32
      "tpu.region"() ({
        %run_scoped3A = tpu.sem_alloc : memref<!tpu.dma_semaphore, #tpu.memory_space<semaphore_mem>>
        %dma_start3A = tpu.memref_slice %arg2[%add3A_39] : memref<323584xi32, #tpu.memory_space<hbm>> -> memref<128xi32, #tpu.memory_space<hbm>>
        %dma_start3A_41 = tpu.memref_slice %arg2[%add3A_39] : memref<323584xi32, #tpu.memory_space<hbm>> -> memref<128xi32, #tpu.memory_space<hbm>>
        tpu.enqueue_dma source(%dma_start3A_41 : memref<128xi32, #tpu.memory_space<hbm>>) target(%arg4 : memref<128xi32, #tpu.memory_space<vmem>>) target_semaphore(%run_scoped3A : memref<!tpu.dma_semaphore, #tpu.memory_space<semaphore_mem>>)
        %dma_wait3A = tpu.memref_slice %arg2[%add3A_39] : memref<323584xi32, #tpu.memory_space<hbm>> -> memref<128xi32, #tpu.memory_space<hbm>>
        %dma_wait3A_42 = tpu.memref_slice %arg2[%add3A_39] : memref<323584xi32, #tpu.memory_space<hbm>> -> memref<128xi32, #tpu.memory_space<hbm>>
        tpu.wait_dma2 semaphore(%run_scoped3A : memref<!tpu.dma_semaphore, #tpu.memory_space<semaphore_mem>>) src(%dma_wait3A_42 : memref<128xi32, #tpu.memory_space<hbm>>) dst(%arg4 : memref<128xi32, #tpu.memory_space<vmem>>)
        tpu.yield
      }) : () -> ()
      "tpu.region"() ({
        %run_scoped3A = tpu.sem_alloc : memref<!tpu.dma_semaphore, #tpu.memory_space<semaphore_mem>>
        %dma_start3A = arith.constant 0 : i32
        %dma_start3A_41 = tpu.memref_slice %arg7[%dma_start3A] : memref<10240xf32, #tpu.memory_space<vmem_shared>> -> memref<10240xf32, #tpu.memory_space<vmem_shared>>
        tpu.enqueue_indirect_dma source(%arg5 : memref<128xf32, #tpu.memory_space<vmem>>) target(%dma_start3A_41 : memref<10240xf32, #tpu.memory_space<vmem_shared>>) offsets(%arg4 : memref<128xi32, #tpu.memory_space<vmem>>) semaphore(%run_scoped3A : memref<!tpu.dma_semaphore, #tpu.memory_space<semaphore_mem>>) {add = true}
        %dma_wait3A = arith.constant 0 : i32
        %dma_wait3A_42 = tpu.memref_slice %arg7[%dma_wait3A] : memref<10240xf32, #tpu.memory_space<vmem_shared>> -> memref<10240xf32, #tpu.memory_space<vmem_shared>>
        tpu.wait_indirect_dma semaphore(%run_scoped3A : memref<!tpu.dma_semaphore, #tpu.memory_space<semaphore_mem>>) src(%arg5 : memref<128xf32, #tpu.memory_space<vmem>>) dst(%dma_wait3A_42 : memref<10240xf32, #tpu.memory_space<vmem_shared>>)
        tpu.yield
      }) : () -> ()
      %scan3A_40 = arith.constant 0 : i32
      scf.yield %scan3A_40 : i32
    }
    %scan3A_26 = arith.constant 79 : i32
    %barrier3A_27 = arith.constant 0 : index
    tpu.barrier barrier_id(%barrier3A_27)
    %mul3A_28 = arith.constant 640 : i32
    %mul3A_29 = arith.muli %arg1, %mul3A_28 : i32
    %mul3A_30 = arith.constant 10240 : i32
    %mul3A_31 = arith.muli %arg0, %mul3A_30 : i32
    %mul3A_32 = arith.constant 640 : i32
    %mul3A_33 = arith.muli %arg1, %mul3A_32 : i32
    %add3A_34 = arith.addi %mul3A_31, %mul3A_33 : i32
    "tpu.region"() ({
      %run_scoped3A = tpu.sem_alloc : memref<!tpu.dma_semaphore, #tpu.memory_space<semaphore_mem>>
      %dma_start3A = tpu.memref_slice %arg3[%add3A_34] : memref<20480xf32, #tpu.memory_space<hbm>> -> memref<640xf32, #tpu.memory_space<hbm>>
      %dma_start3A_35 = tpu.memref_slice %arg7[%mul3A_29] : memref<10240xf32, #tpu.memory_space<vmem_shared>> -> memref<640xf32, #tpu.memory_space<vmem_shared>>
      tpu.enqueue_dma source(%dma_start3A_35 : memref<640xf32, #tpu.memory_space<vmem_shared>>) target(%dma_start3A : memref<640xf32, #tpu.memory_space<hbm>>) target_semaphore(%run_scoped3A : memref<!tpu.dma_semaphore, #tpu.memory_space<semaphore_mem>>)
      %dma_wait3A = tpu.memref_slice %arg3[%add3A_34] : memref<20480xf32, #tpu.memory_space<hbm>> -> memref<640xf32, #tpu.memory_space<hbm>>
      %dma_wait3A_36 = tpu.memref_slice %arg7[%mul3A_29] : memref<10240xf32, #tpu.memory_space<vmem_shared>> -> memref<640xf32, #tpu.memory_space<vmem_shared>>
      tpu.wait_dma2 semaphore(%run_scoped3A : memref<!tpu.dma_semaphore, #tpu.memory_space<semaphore_mem>>) src(%dma_wait3A_36 : memref<640xf32, #tpu.memory_space<vmem_shared>>) dst(%dma_wait3A : memref<640xf32, #tpu.memory_space<hbm>>)
      tpu.yield
    }) : () -> ()
    return
  }
}

#map = affine_map<(d0, d1) -> (0, 0)>
#map1 = affine_map<(d0, d1) -> (0)>
module attributes {stable_mosaic.version = 14 : i64} {
  func.func @_acc_body(%arg0: i32, %arg1: i32, %arg2: memref<10240x128xf32, #tpu.memory_space<hbm>>, %arg3: memref<323584xi32, #tpu.memory_space<hbm>>, %arg4: memref<323584xi32, #tpu.memory_space<hbm>>, %arg5: memref<20480x128xf32, #tpu.memory_space<hbm>>, %arg6: memref<128xi32, #tpu.memory_space<vmem>>, %arg7: memref<128xi32, #tpu.memory_space<vmem>>, %arg8: memref<128x128xf32, #tpu.memory_space<vmem>>, %arg9: memref<128x128xf32, #tpu.memory_space<vmem>>, %arg10: memref<!tpu.dma_semaphore, #tpu.memory_space<semaphore_mem>>, %arg11: memref<10240x128xf32, #tpu.memory_space<vmem_shared>>) attributes {dimension_semantics = [#tpu.dimension_semantics<core_parallel>, #tpu.dimension_semantics<subcore_parallel>], iteration_bounds = array<i64: 2, 16>, scalar_prefetch = 0 : i64, scratch_operands = 6 : i64, tpu.core_type = #tpu.core_type<sc_vector_subcore>, window_params = [{transform_indices = #map}, {transform_indices = #map1}, {transform_indices = #map1}, {transform_indices = #map}]} {
    %mul3A = arith.constant 2 : i32
    %mul3A_0 = arith.muli %arg1, %mul3A : i32
    %add3A = arith.addi %mul3A_0, %arg0 : i32
    %scan3A = arith.constant 0 : i32
    %scan3A_1 = arith.constant 0 : i32
    %scan3A_2 = arith.constant 128 : i32
    %scan3A_3 = arith.addi %scan3A_1, %scan3A_2 : i32
    %scan3A_4 = arith.constant 1 : i32
    %scan3A_5 = scf.for %scan3A_46 = %scan3A_1 to %scan3A_3 step %scan3A_4 iter_args(%scan3A_47 = %scan3A) -> (i32)  : i32 {
      %broadcast_in_dim3A = arith.constant 0.000000e+00 : f32
      %broadcast_in_dim3A_48 = vector.broadcast %broadcast_in_dim3A : f32 to vector<16xf32>
      %swap3A = arith.index_cast %scan3A_46 : i32 to index
      %swap3A_49 = arith.constant 0 : index
      %swap3A_50 = tpu.vector_load %arg9[%swap3A, %swap3A_49] {strides = array<i32>} : memref<128x128xf32, #tpu.memory_space<vmem>>, vector<1x16xf32>,
      %swap3A_51 = vector.shape_cast %swap3A_50 : vector<1x16xf32> to vector<16xf32>
      %swap3A_52 = vector.shape_cast %broadcast_in_dim3A_48 : vector<16xf32> to vector<1x16xf32>
      tpu.vector_store %arg9[%swap3A, %swap3A_49], %swap3A_52 {strides = array<i32>} : memref<128x128xf32, #tpu.memory_space<vmem>>, vector<1x16xf32>,
      %broadcast_in_dim3A_53 = arith.constant 0.000000e+00 : f32
      %broadcast_in_dim3A_54 = vector.broadcast %broadcast_in_dim3A_53 : f32 to vector<16xf32>
      %swap3A_55 = arith.index_cast %scan3A_46 : i32 to index
      %swap3A_56 = arith.constant 16 : index
      %swap3A_57 = tpu.vector_load %arg9[%swap3A_55, %swap3A_56] {strides = array<i32>} : memref<128x128xf32, #tpu.memory_space<vmem>>, vector<1x16xf32>,
      %swap3A_58 = vector.shape_cast %swap3A_57 : vector<1x16xf32> to vector<16xf32>
      %swap3A_59 = vector.shape_cast %broadcast_in_dim3A_54 : vector<16xf32> to vector<1x16xf32>
      tpu.vector_store %arg9[%swap3A_55, %swap3A_56], %swap3A_59 {strides = array<i32>} : memref<128x128xf32, #tpu.memory_space<vmem>>, vector<1x16xf32>,
      %broadcast_in_dim3A_60 = arith.constant 0.000000e+00 : f32
      %broadcast_in_dim3A_61 = vector.broadcast %broadcast_in_dim3A_60 : f32 to vector<16xf32>
      %swap3A_62 = arith.index_cast %scan3A_46 : i32 to index
      %swap3A_63 = arith.constant 32 : index
      %swap3A_64 = tpu.vector_load %arg9[%swap3A_62, %swap3A_63] {strides = array<i32>} : memref<128x128xf32, #tpu.memory_space<vmem>>, vector<1x16xf32>,
      %swap3A_65 = vector.shape_cast %swap3A_64 : vector<1x16xf32> to vector<16xf32>
      %swap3A_66 = vector.shape_cast %broadcast_in_dim3A_61 : vector<16xf32> to vector<1x16xf32>
      tpu.vector_store %arg9[%swap3A_62, %swap3A_63], %swap3A_66 {strides = array<i32>} : memref<128x128xf32, #tpu.memory_space<vmem>>, vector<1x16xf32>,
      %broadcast_in_dim3A_67 = arith.constant 0.000000e+00 : f32
      %broadcast_in_dim3A_68 = vector.broadcast %broadcast_in_dim3A_67 : f32 to vector<16xf32>
      %swap3A_69 = arith.index_cast %scan3A_46 : i32 to index
      %swap3A_70 = arith.constant 48 : index
      %swap3A_71 = tpu.vector_load %arg9[%swap3A_69, %swap3A_70] {strides = array<i32>} : memref<128x128xf32, #tpu.memory_space<vmem>>, vector<1x16xf32>,
      %swap3A_72 = vector.shape_cast %swap3A_71 : vector<1x16xf32> to vector<16xf32>
      %swap3A_73 = vector.shape_cast %broadcast_in_dim3A_68 : vector<16xf32> to vector<1x16xf32>
      tpu.vector_store %arg9[%swap3A_69, %swap3A_70], %swap3A_73 {strides = array<i32>} : memref<128x128xf32, #tpu.memory_space<vmem>>, vector<1x16xf32>,
      %broadcast_in_dim3A_74 = arith.constant 0.000000e+00 : f32
      %broadcast_in_dim3A_75 = vector.broadcast %broadcast_in_dim3A_74 : f32 to vector<16xf32>
      %swap3A_76 = arith.index_cast %scan3A_46 : i32 to index
      %swap3A_77 = arith.constant 64 : index
      %swap3A_78 = tpu.vector_load %arg9[%swap3A_76, %swap3A_77] {strides = array<i32>} : memref<128x128xf32, #tpu.memory_space<vmem>>, vector<1x16xf32>,
      %swap3A_79 = vector.shape_cast %swap3A_78 : vector<1x16xf32> to vector<16xf32>
      %swap3A_80 = vector.shape_cast %broadcast_in_dim3A_75 : vector<16xf32> to vector<1x16xf32>
      tpu.vector_store %arg9[%swap3A_76, %swap3A_77], %swap3A_80 {strides = array<i32>} : memref<128x128xf32, #tpu.memory_space<vmem>>, vector<1x16xf32>,
      %broadcast_in_dim3A_81 = arith.constant 0.000000e+00 : f32
      %broadcast_in_dim3A_82 = vector.broadcast %broadcast_in_dim3A_81 : f32 to vector<16xf32>
      %swap3A_83 = arith.index_cast %scan3A_46 : i32 to index
      %swap3A_84 = arith.constant 80 : index
      %swap3A_85 = tpu.vector_load %arg9[%swap3A_83, %swap3A_84] {strides = array<i32>} : memref<128x128xf32, #tpu.memory_space<vmem>>, vector<1x16xf32>,
      %swap3A_86 = vector.shape_cast %swap3A_85 : vector<1x16xf32> to vector<16xf32>
      %swap3A_87 = vector.shape_cast %broadcast_in_dim3A_82 : vector<16xf32> to vector<1x16xf32>
      tpu.vector_store %arg9[%swap3A_83, %swap3A_84], %swap3A_87 {strides = array<i32>} : memref<128x128xf32, #tpu.memory_space<vmem>>, vector<1x16xf32>,
      %broadcast_in_dim3A_88 = arith.constant 0.000000e+00 : f32
      %broadcast_in_dim3A_89 = vector.broadcast %broadcast_in_dim3A_88 : f32 to vector<16xf32>
      %swap3A_90 = arith.index_cast %scan3A_46 : i32 to index
      %swap3A_91 = arith.constant 96 : index
      %swap3A_92 = tpu.vector_load %arg9[%swap3A_90, %swap3A_91] {strides = array<i32>} : memref<128x128xf32, #tpu.memory_space<vmem>>, vector<1x16xf32>,
      %swap3A_93 = vector.shape_cast %swap3A_92 : vector<1x16xf32> to vector<16xf32>
      %swap3A_94 = vector.shape_cast %broadcast_in_dim3A_89 : vector<16xf32> to vector<1x16xf32>
      tpu.vector_store %arg9[%swap3A_90, %swap3A_91], %swap3A_94 {strides = array<i32>} : memref<128x128xf32, #tpu.memory_space<vmem>>, vector<1x16xf32>,
      %broadcast_in_dim3A_95 = arith.constant 0.000000e+00 : f32
      %broadcast_in_dim3A_96 = vector.broadcast %broadcast_in_dim3A_95 : f32 to vector<16xf32>
      %swap3A_97 = arith.index_cast %scan3A_46 : i32 to index
      %swap3A_98 = arith.constant 112 : index
      %swap3A_99 = tpu.vector_load %arg9[%swap3A_97, %swap3A_98] {strides = array<i32>} : memref<128x128xf32, #tpu.memory_space<vmem>>, vector<1x16xf32>,
      %swap3A_100 = vector.shape_cast %swap3A_99 : vector<1x16xf32> to vector<16xf32>
      %swap3A_101 = vector.shape_cast %broadcast_in_dim3A_96 : vector<16xf32> to vector<1x16xf32>
      tpu.vector_store %arg9[%swap3A_97, %swap3A_98], %swap3A_101 {strides = array<i32>} : memref<128x128xf32, #tpu.memory_space<vmem>>, vector<1x16xf32>,
      %scan3A_102 = arith.constant 0 : i32
      scf.yield %scan3A_102 : i32
    }
    %scan3A_6 = arith.constant 128 : i32
    %mul3A_7 = arith.constant 640 : i32
    %mul3A_8 = arith.muli %arg1, %mul3A_7 : i32
    %add3A_9 = arith.constant 0 : i32
    %add3A_10 = arith.addi %mul3A_8, %add3A_9 : i32
    "tpu.region"() ({
      %run_scoped3A = tpu.sem_alloc : memref<!tpu.dma_semaphore, #tpu.memory_space<semaphore_mem>>
      %dma_start3A = arith.constant 0 : i32
      %dma_start3A_46 = tpu.memref_slice %arg11[%add3A_10, %dma_start3A] : memref<10240x128xf32, #tpu.memory_space<vmem_shared>> -> memref<128x128xf32, #tpu.memory_space<vmem_shared>>
      %dma_start3A_47 = arith.constant 0 : i32
      %dma_start3A_48 = tpu.memref_slice %arg11[%add3A_10, %dma_start3A_47] : memref<10240x128xf32, #tpu.memory_space<vmem_shared>> -> memref<128x128xf32, #tpu.memory_space<vmem_shared>>
      tpu.enqueue_dma source(%arg9 : memref<128x128xf32, #tpu.memory_space<vmem>>) target(%dma_start3A_48 : memref<128x128xf32, #tpu.memory_space<vmem_shared>>) target_semaphore(%run_scoped3A : memref<!tpu.dma_semaphore, #tpu.memory_space<semaphore_mem>>)
      %dma_wait3A = arith.constant 0 : i32
      %dma_wait3A_49 = tpu.memref_slice %arg11[%add3A_10, %dma_wait3A] : memref<10240x128xf32, #tpu.memory_space<vmem_shared>> -> memref<128x128xf32, #tpu.memory_space<vmem_shared>>
      %dma_wait3A_50 = arith.constant 0 : i32
      %dma_wait3A_51 = tpu.memref_slice %arg11[%add3A_10, %dma_wait3A_50] : memref<10240x128xf32, #tpu.memory_space<vmem_shared>> -> memref<128x128xf32, #tpu.memory_space<vmem_shared>>
      tpu.wait_dma2 semaphore(%run_scoped3A : memref<!tpu.dma_semaphore, #tpu.memory_space<semaphore_mem>>) src(%arg9 : memref<128x128xf32, #tpu.memory_space<vmem>>) dst(%dma_wait3A_51 : memref<128x128xf32, #tpu.memory_space<vmem_shared>>)
      tpu.yield
    }) : () -> ()
    %mul3A_11 = arith.constant 640 : i32
    %mul3A_12 = arith.muli %arg1, %mul3A_11 : i32
    %add3A_13 = arith.constant 128 : i32
    %add3A_14 = arith.addi %mul3A_12, %add3A_13 : i32
    "tpu.region"() ({
      %run_scoped3A = tpu.sem_alloc : memref<!tpu.dma_semaphore, #tpu.memory_space<semaphore_mem>>
      %dma_start3A = arith.constant 0 : i32
      %dma_start3A_46 = tpu.memref_slice %arg11[%add3A_14, %dma_start3A] : memref<10240x128xf32, #tpu.memory_space<vmem_shared>> -> memref<128x128xf32, #tpu.memory_space<vmem_shared>>
      %dma_start3A_47 = arith.constant 0 : i32
      %dma_start3A_48 = tpu.memref_slice %arg11[%add3A_14, %dma_start3A_47] : memref<10240x128xf32, #tpu.memory_space<vmem_shared>> -> memref<128x128xf32, #tpu.memory_space<vmem_shared>>
      tpu.enqueue_dma source(%arg9 : memref<128x128xf32, #tpu.memory_space<vmem>>) target(%dma_start3A_48 : memref<128x128xf32, #tpu.memory_space<vmem_shared>>) target_semaphore(%run_scoped3A : memref<!tpu.dma_semaphore, #tpu.memory_space<semaphore_mem>>)
      %dma_wait3A = arith.constant 0 : i32
      %dma_wait3A_49 = tpu.memref_slice %arg11[%add3A_14, %dma_wait3A] : memref<10240x128xf32, #tpu.memory_space<vmem_shared>> -> memref<128x128xf32, #tpu.memory_space<vmem_shared>>
      %dma_wait3A_50 = arith.constant 0 : i32
      %dma_wait3A_51 = tpu.memref_slice %arg11[%add3A_14, %dma_wait3A_50] : memref<10240x128xf32, #tpu.memory_space<vmem_shared>> -> memref<128x128xf32, #tpu.memory_space<vmem_shared>>
      tpu.wait_dma2 semaphore(%run_scoped3A : memref<!tpu.dma_semaphore, #tpu.memory_space<semaphore_mem>>) src(%arg9 : memref<128x128xf32, #tpu.memory_space<vmem>>) dst(%dma_wait3A_51 : memref<128x128xf32, #tpu.memory_space<vmem_shared>>)
      tpu.yield
    }) : () -> ()
    %mul3A_15 = arith.constant 640 : i32
    %mul3A_16 = arith.muli %arg1, %mul3A_15 : i32
    %add3A_17 = arith.constant 256 : i32
    %add3A_18 = arith.addi %mul3A_16, %add3A_17 : i32
    "tpu.region"() ({
      %run_scoped3A = tpu.sem_alloc : memref<!tpu.dma_semaphore, #tpu.memory_space<semaphore_mem>>
      %dma_start3A = arith.constant 0 : i32
      %dma_start3A_46 = tpu.memref_slice %arg11[%add3A_18, %dma_start3A] : memref<10240x128xf32, #tpu.memory_space<vmem_shared>> -> memref<128x128xf32, #tpu.memory_space<vmem_shared>>
      %dma_start3A_47 = arith.constant 0 : i32
      %dma_start3A_48 = tpu.memref_slice %arg11[%add3A_18, %dma_start3A_47] : memref<10240x128xf32, #tpu.memory_space<vmem_shared>> -> memref<128x128xf32, #tpu.memory_space<vmem_shared>>
      tpu.enqueue_dma source(%arg9 : memref<128x128xf32, #tpu.memory_space<vmem>>) target(%dma_start3A_48 : memref<128x128xf32, #tpu.memory_space<vmem_shared>>) target_semaphore(%run_scoped3A : memref<!tpu.dma_semaphore, #tpu.memory_space<semaphore_mem>>)
      %dma_wait3A = arith.constant 0 : i32
      %dma_wait3A_49 = tpu.memref_slice %arg11[%add3A_18, %dma_wait3A] : memref<10240x128xf32, #tpu.memory_space<vmem_shared>> -> memref<128x128xf32, #tpu.memory_space<vmem_shared>>
      %dma_wait3A_50 = arith.constant 0 : i32
      %dma_wait3A_51 = tpu.memref_slice %arg11[%add3A_18, %dma_wait3A_50] : memref<10240x128xf32, #tpu.memory_space<vmem_shared>> -> memref<128x128xf32, #tpu.memory_space<vmem_shared>>
      tpu.wait_dma2 semaphore(%run_scoped3A : memref<!tpu.dma_semaphore, #tpu.memory_space<semaphore_mem>>) src(%arg9 : memref<128x128xf32, #tpu.memory_space<vmem>>) dst(%dma_wait3A_51 : memref<128x128xf32, #tpu.memory_space<vmem_shared>>)
      tpu.yield
    }) : () -> ()
    %mul3A_19 = arith.constant 640 : i32
    %mul3A_20 = arith.muli %arg1, %mul3A_19 : i32
    %add3A_21 = arith.constant 384 : i32
    %add3A_22 = arith.addi %mul3A_20, %add3A_21 : i32
    "tpu.region"() ({
      %run_scoped3A = tpu.sem_alloc : memref<!tpu.dma_semaphore, #tpu.memory_space<semaphore_mem>>
      %dma_start3A = arith.constant 0 : i32
      %dma_start3A_46 = tpu.memref_slice %arg11[%add3A_22, %dma_start3A] : memref<10240x128xf32, #tpu.memory_space<vmem_shared>> -> memref<128x128xf32, #tpu.memory_space<vmem_shared>>
      %dma_start3A_47 = arith.constant 0 : i32
      %dma_start3A_48 = tpu.memref_slice %arg11[%add3A_22, %dma_start3A_47] : memref<10240x128xf32, #tpu.memory_space<vmem_shared>> -> memref<128x128xf32, #tpu.memory_space<vmem_shared>>
      tpu.enqueue_dma source(%arg9 : memref<128x128xf32, #tpu.memory_space<vmem>>) target(%dma_start3A_48 : memref<128x128xf32, #tpu.memory_space<vmem_shared>>) target_semaphore(%run_scoped3A : memref<!tpu.dma_semaphore, #tpu.memory_space<semaphore_mem>>)
      %dma_wait3A = arith.constant 0 : i32
      %dma_wait3A_49 = tpu.memref_slice %arg11[%add3A_22, %dma_wait3A] : memref<10240x128xf32, #tpu.memory_space<vmem_shared>> -> memref<128x128xf32, #tpu.memory_space<vmem_shared>>
      %dma_wait3A_50 = arith.constant 0 : i32
      %dma_wait3A_51 = tpu.memref_slice %arg11[%add3A_22, %dma_wait3A_50] : memref<10240x128xf32, #tpu.memory_space<vmem_shared>> -> memref<128x128xf32, #tpu.memory_space<vmem_shared>>
      tpu.wait_dma2 semaphore(%run_scoped3A : memref<!tpu.dma_semaphore, #tpu.memory_space<semaphore_mem>>) src(%arg9 : memref<128x128xf32, #tpu.memory_space<vmem>>) dst(%dma_wait3A_51 : memref<128x128xf32, #tpu.memory_space<vmem_shared>>)
      tpu.yield
    }) : () -> ()
    %mul3A_23 = arith.constant 640 : i32
    %mul3A_24 = arith.muli %arg1, %mul3A_23 : i32
    %add3A_25 = arith.constant 512 : i32
    %add3A_26 = arith.addi %mul3A_24, %add3A_25 : i32
    "tpu.region"() ({
      %run_scoped3A = tpu.sem_alloc : memref<!tpu.dma_semaphore, #tpu.memory_space<semaphore_mem>>
      %dma_start3A = arith.constant 0 : i32
      %dma_start3A_46 = tpu.memref_slice %arg11[%add3A_26, %dma_start3A] : memref<10240x128xf32, #tpu.memory_space<vmem_shared>> -> memref<128x128xf32, #tpu.memory_space<vmem_shared>>
      %dma_start3A_47 = arith.constant 0 : i32
      %dma_start3A_48 = tpu.memref_slice %arg11[%add3A_26, %dma_start3A_47] : memref<10240x128xf32, #tpu.memory_space<vmem_shared>> -> memref<128x128xf32, #tpu.memory_space<vmem_shared>>
      tpu.enqueue_dma source(%arg9 : memref<128x128xf32, #tpu.memory_space<vmem>>) target(%dma_start3A_48 : memref<128x128xf32, #tpu.memory_space<vmem_shared>>) target_semaphore(%run_scoped3A : memref<!tpu.dma_semaphore, #tpu.memory_space<semaphore_mem>>)
      %dma_wait3A = arith.constant 0 : i32
      %dma_wait3A_49 = tpu.memref_slice %arg11[%add3A_26, %dma_wait3A] : memref<10240x128xf32, #tpu.memory_space<vmem_shared>> -> memref<128x128xf32, #tpu.memory_space<vmem_shared>>
      %dma_wait3A_50 = arith.constant 0 : i32
      %dma_wait3A_51 = tpu.memref_slice %arg11[%add3A_26, %dma_wait3A_50] : memref<10240x128xf32, #tpu.memory_space<vmem_shared>> -> memref<128x128xf32, #tpu.memory_space<vmem_shared>>
      tpu.wait_dma2 semaphore(%run_scoped3A : memref<!tpu.dma_semaphore, #tpu.memory_space<semaphore_mem>>) src(%arg9 : memref<128x128xf32, #tpu.memory_space<vmem>>) dst(%dma_wait3A_51 : memref<128x128xf32, #tpu.memory_space<vmem_shared>>)
      tpu.yield
    }) : () -> ()
    %barrier3A = arith.constant 0 : index
    tpu.barrier barrier_id(%barrier3A)
    %mul3A_27 = arith.constant 79 : i32
    %mul3A_28 = arith.muli %add3A, %mul3A_27 : i32
    %mul3A_29 = arith.constant 128 : i32
    %mul3A_30 = arith.muli %mul3A_28, %mul3A_29 : i32
    %scan3A_31 = arith.constant 0 : i32
    %scan3A_32 = arith.constant 0 : i32
    %scan3A_33 = arith.constant 79 : i32
    %scan3A_34 = arith.addi %scan3A_32, %scan3A_33 : i32
    %scan3A_35 = arith.constant 1 : i32
    %scan3A_36 = scf.for %scan3A_46 = %scan3A_32 to %scan3A_34 step %scan3A_35 iter_args(%scan3A_47 = %scan3A_31) -> (i32)  : i32 {
      %mul3A_48 = arith.constant 128 : i32
      %mul3A_49 = arith.muli %scan3A_46, %mul3A_48 : i32
      %add3A_50 = arith.addi %mul3A_30, %mul3A_49 : i32
      "tpu.region"() ({
        %run_scoped3A = tpu.sem_alloc : memref<!tpu.dma_semaphore, #tpu.memory_space<semaphore_mem>>
        %dma_start3A_56 = tpu.memref_slice %arg3[%add3A_50] : memref<323584xi32, #tpu.memory_space<hbm>> -> memref<128xi32, #tpu.memory_space<hbm>>
        %dma_start3A_57 = tpu.memref_slice %arg3[%add3A_50] : memref<323584xi32, #tpu.memory_space<hbm>> -> memref<128xi32, #tpu.memory_space<hbm>>
        tpu.enqueue_dma source(%dma_start3A_57 : memref<128xi32, #tpu.memory_space<hbm>>) target(%arg6 : memref<128xi32, #tpu.memory_space<vmem>>) target_semaphore(%run_scoped3A : memref<!tpu.dma_semaphore, #tpu.memory_space<semaphore_mem>>)
        %dma_wait3A_58 = tpu.memref_slice %arg3[%add3A_50] : memref<323584xi32, #tpu.memory_space<hbm>> -> memref<128xi32, #tpu.memory_space<hbm>>
        %dma_wait3A_59 = tpu.memref_slice %arg3[%add3A_50] : memref<323584xi32, #tpu.memory_space<hbm>> -> memref<128xi32, #tpu.memory_space<hbm>>
        tpu.wait_dma2 semaphore(%run_scoped3A : memref<!tpu.dma_semaphore, #tpu.memory_space<semaphore_mem>>) src(%dma_wait3A_59 : memref<128xi32, #tpu.memory_space<hbm>>) dst(%arg6 : memref<128xi32, #tpu.memory_space<vmem>>)
        tpu.yield
      }) : () -> ()
      "tpu.region"() ({
        %run_scoped3A = tpu.sem_alloc : memref<!tpu.dma_semaphore, #tpu.memory_space<semaphore_mem>>
        %dma_start3A_56 = tpu.memref_slice %arg4[%add3A_50] : memref<323584xi32, #tpu.memory_space<hbm>> -> memref<128xi32, #tpu.memory_space<hbm>>
        %dma_start3A_57 = tpu.memref_slice %arg4[%add3A_50] : memref<323584xi32, #tpu.memory_space<hbm>> -> memref<128xi32, #tpu.memory_space<hbm>>
        tpu.enqueue_dma source(%dma_start3A_57 : memref<128xi32, #tpu.memory_space<hbm>>) target(%arg7 : memref<128xi32, #tpu.memory_space<vmem>>) target_semaphore(%run_scoped3A : memref<!tpu.dma_semaphore, #tpu.memory_space<semaphore_mem>>)
        %dma_wait3A_58 = tpu.memref_slice %arg4[%add3A_50] : memref<323584xi32, #tpu.memory_space<hbm>> -> memref<128xi32, #tpu.memory_space<hbm>>
        %dma_wait3A_59 = tpu.memref_slice %arg4[%add3A_50] : memref<323584xi32, #tpu.memory_space<hbm>> -> memref<128xi32, #tpu.memory_space<hbm>>
        tpu.wait_dma2 semaphore(%run_scoped3A : memref<!tpu.dma_semaphore, #tpu.memory_space<semaphore_mem>>) src(%dma_wait3A_59 : memref<128xi32, #tpu.memory_space<hbm>>) dst(%arg7 : memref<128xi32, #tpu.memory_space<vmem>>)
        tpu.yield
      }) : () -> ()
      %dma_start3A = arith.constant 0 : i32
      %dma_start3A_51 = arith.constant 0 : i32
      %dma_start3A_52 = tpu.memref_slice %arg2[%dma_start3A, %dma_start3A_51] : memref<10240x128xf32, #tpu.memory_space<hbm>> -> memref<10240x128xf32, #tpu.memory_space<hbm>>
      tpu.enqueue_indirect_dma source(%dma_start3A_52 : memref<10240x128xf32, #tpu.memory_space<hbm>>) target(%arg8 : memref<128x128xf32, #tpu.memory_space<vmem>>) offsets(%arg6 : memref<128xi32, #tpu.memory_space<vmem>>) semaphore(%arg10 : memref<!tpu.dma_semaphore, #tpu.memory_space<semaphore_mem>>)
      %dma_wait3A = arith.constant 0 : i32
      %dma_wait3A_53 = arith.constant 0 : i32
      %dma_wait3A_54 = tpu.memref_slice %arg2[%dma_wait3A, %dma_wait3A_53] : memref<10240x128xf32, #tpu.memory_space<hbm>> -> memref<10240x128xf32, #tpu.memory_space<hbm>>
      tpu.wait_indirect_dma semaphore(%arg10 : memref<!tpu.dma_semaphore, #tpu.memory_space<semaphore_mem>>) src(%dma_wait3A_54 : memref<10240x128xf32, #tpu.memory_space<hbm>>) dst(%arg8 : memref<128x128xf32, #tpu.memory_space<vmem>>)
      "tpu.region"() ({
        %run_scoped3A = tpu.sem_alloc : memref<!tpu.dma_semaphore, #tpu.memory_space<semaphore_mem>>
        %dma_start3A_56 = arith.constant 0 : i32
        %dma_start3A_57 = arith.constant 0 : i32
        %dma_start3A_58 = tpu.memref_slice %arg11[%dma_start3A_56, %dma_start3A_57] : memref<10240x128xf32, #tpu.memory_space<vmem_shared>> -> memref<10240x128xf32, #tpu.memory_space<vmem_shared>>
        tpu.enqueue_indirect_dma source(%arg8 : memref<128x128xf32, #tpu.memory_space<vmem>>) target(%dma_start3A_58 : memref<10240x128xf32, #tpu.memory_space<vmem_shared>>) offsets(%arg7 : memref<128xi32, #tpu.memory_space<vmem>>) semaphore(%run_scoped3A : memref<!tpu.dma_semaphore, #tpu.memory_space<semaphore_mem>>) {add = true}
        %dma_wait3A_59 = arith.constant 0 : i32
        %dma_wait3A_60 = arith.constant 0 : i32
        %dma_wait3A_61 = tpu.memref_slice %arg11[%dma_wait3A_59, %dma_wait3A_60] : memref<10240x128xf32, #tpu.memory_space<vmem_shared>> -> memref<10240x128xf32, #tpu.memory_space<vmem_shared>>
        tpu.wait_indirect_dma semaphore(%run_scoped3A : memref<!tpu.dma_semaphore, #tpu.memory_space<semaphore_mem>>) src(%arg8 : memref<128x128xf32, #tpu.memory_space<vmem>>) dst(%dma_wait3A_61 : memref<10240x128xf32, #tpu.memory_space<vmem_shared>>)
        tpu.yield
      }) : () -> ()
      %scan3A_55 = arith.constant 0 : i32
      scf.yield %scan3A_55 : i32
    }
    %scan3A_37 = arith.constant 79 : i32
    %barrier3A_38 = arith.constant 0 : index
    tpu.barrier barrier_id(%barrier3A_38)
    %mul3A_39 = arith.constant 640 : i32
    %mul3A_40 = arith.muli %arg1, %mul3A_39 : i32
    %mul3A_41 = arith.constant 10240 : i32
    %mul3A_42 = arith.muli %arg0, %mul3A_41 : i32
    %mul3A_43 = arith.constant 640 : i32
    %mul3A_44 = arith.muli %arg1, %mul3A_43 : i32
    %add3A_45 = arith.addi %mul3A_42, %mul3A_44 : i32
    "tpu.region"() ({
      %run_scoped3A = tpu.sem_alloc : memref<!tpu.dma_semaphore, #tpu.memory_space<semaphore_mem>>
      %dma_start3A = arith.constant 0 : i32
      %dma_start3A_46 = tpu.memref_slice %arg5[%add3A_45, %dma_start3A] : memref<20480x128xf32, #tpu.memory_space<hbm>> -> memref<640x128xf32, #tpu.memory_space<hbm>>
      %dma_start3A_47 = arith.constant 0 : i32
      %dma_start3A_48 = tpu.memref_slice %arg11[%mul3A_40, %dma_start3A_47] : memref<10240x128xf32, #tpu.memory_space<vmem_shared>> -> memref<640x128xf32, #tpu.memory_space<vmem_shared>>
      tpu.enqueue_dma source(%dma_start3A_48 : memref<640x128xf32, #tpu.memory_space<vmem_shared>>) target(%dma_start3A_46 : memref<640x128xf32, #tpu.memory_space<hbm>>) target_semaphore(%run_scoped3A : memref<!tpu.dma_semaphore, #tpu.memory_space<semaphore_mem>>)
      %dma_wait3A = arith.constant 0 : i32
      %dma_wait3A_49 = tpu.memref_slice %arg5[%add3A_45, %dma_wait3A] : memref<20480x128xf32, #tpu.memory_space<hbm>> -> memref<640x128xf32, #tpu.memory_space<hbm>>
      %dma_wait3A_50 = arith.constant 0 : i32
      %dma_wait3A_51 = tpu.memref_slice %arg11[%mul3A_40, %dma_wait3A_50] : memref<10240x128xf32, #tpu.memory_space<vmem_shared>> -> memref<640x128xf32, #tpu.memory_space<vmem_shared>>
      tpu.wait_dma2 semaphore(%run_scoped3A : memref<!tpu.dma_semaphore, #tpu.memory_space<semaphore_mem>>) src(%dma_wait3A_51 : memref<640x128xf32, #tpu.memory_space<vmem_shared>>) dst(%dma_wait3A_49 : memref<640x128xf32, #tpu.memory_space<hbm>>)
      tpu.yield
    }) : () -> ()
    return
  }
}

module attributes {stable_mosaic.version = 14 : i64} {
  func.func @_comb_mm_body(%arg0: i32, %arg1: memref<512x128xf32, #tpu.memory_space<vmem>>, %arg2: memref<512x128xf32, #tpu.memory_space<vmem>>, %arg3: memref<512x128xf32, #tpu.memory_space<vmem>>, %arg4: memref<512x1xf32, #tpu.memory_space<vmem>>, %arg5: memref<1x128xf32, #tpu.memory_space<vmem>>, %arg6: memref<128x128xf32, #tpu.memory_space<vmem>>, %arg7: memref<512x128xf32, #tpu.memory_space<vmem>>) attributes {dimension_semantics = [#tpu.dimension_semantics<arbitrary>], iteration_bounds = array<i64: 20>, scalar_prefetch = 0 : i64, scratch_operands = 0 : i64, tpu.core_type = #tpu.core_type<tc>, window_params = [{transform_indices = @transform_0, window_bounds = array<i64: 512, 128>}, {transform_indices = @transform_1, window_bounds = array<i64: 512, 128>}, {transform_indices = @transform_2, window_bounds = array<i64: 512, 128>}, {transform_indices = @transform_3, window_bounds = array<i64: 512, 1>}, {pipeline_mode = #tpu.pipeline_mode<synchronous>, transform_indices = @transform_4, window_bounds = array<i64: 1, 128>}, {pipeline_mode = #tpu.pipeline_mode<synchronous>, transform_indices = @transform_5, window_bounds = array<i64: 128, 128>}, {transform_indices = @transform_6, window_bounds = array<i64: 512, 128>}]} {
    %get3A = arith.constant 0 : index
    %get3A_0 = arith.constant 0 : index
    %get3A_1 = vector.load %arg4[%get3A, %get3A_0] : memref<512x1xf32, #tpu.memory_space<vmem>>, vector<512x1xf32>
    %get3A_2 = arith.constant 0 : index
    %get3A_3 = arith.constant 0 : index
    %get3A_4 = vector.load %arg1[%get3A_2, %get3A_3] : memref<512x128xf32, #tpu.memory_space<vmem>>, vector<512x128xf32>
    %get3A_5 = arith.constant 0 : index
    %get3A_6 = arith.constant 0 : index
    %get3A_7 = vector.load %arg2[%get3A_5, %get3A_6] : memref<512x128xf32, #tpu.memory_space<vmem>>, vector<512x128xf32>
    %add3A = arith.addf %get3A_4, %get3A_7 : vector<512x128xf32>
    %get3A_8 = arith.constant 0 : index
    %get3A_9 = arith.constant 0 : index
    %get3A_10 = vector.load %arg3[%get3A_8, %get3A_9] : memref<512x128xf32, #tpu.memory_space<vmem>>, vector<512x128xf32>
    %add3A_11 = arith.addf %add3A, %get3A_10 : vector<512x128xf32>
    %mul3A = vector.broadcast %get3A_1 : vector<512x1xf32> to vector<512x128xf32>
    %mul3A_12 = arith.mulf %mul3A, %add3A_11 : vector<512x128xf32>
    %get3A_13 = arith.constant 0 : index
    %get3A_14 = arith.constant 0 : index
    %get3A_15 = vector.load %arg5[%get3A_13, %get3A_14] : memref<1x128xf32, #tpu.memory_space<vmem>>, vector<1x128xf32>
    %add3A_16 = vector.broadcast %get3A_15 : vector<1x128xf32> to vector<512x128xf32>
    %add3A_17 = arith.addf %mul3A_12, %add3A_16 : vector<512x128xf32>
    %max3A = arith.constant 0.000000e+00 : f32
    %max3A_18 = vector.broadcast %max3A : f32 to vector<512x128xf32>
    %max3A_19 = arith.maximumf %add3A_17, %max3A_18 : vector<512x128xf32>
    %get3A_20 = arith.constant 0 : index
    %get3A_21 = arith.constant 0 : index
    %get3A_22 = vector.load %arg6[%get3A_20, %get3A_21] : memref<128x128xf32, #tpu.memory_space<vmem>>, vector<128x128xf32>
    %dot_general3A = arith.constant dense<0.000000e+00> : vector<512x128xf32>
    %dot_general3A_23 = tpu.matmul %max3A_19, %get3A_22, %dot_general3A {dimension_numbers = #tpu.dot_dimension_numbers<[1], [0], [0], [1], [0, 0, 1, 1], [], []>, transpose_lhs_hint = false} : vector<512x128xf32>, vector<128x128xf32>, vector<512x128xf32> -> vector<512x128xf32>
    %mul3A_24 = vector.broadcast %get3A_1 : vector<512x1xf32> to vector<512x128xf32>
    %mul3A_25 = arith.mulf %dot_general3A_23, %mul3A_24 : vector<512x128xf32>
    %swap3A = arith.constant 0 : index
    %swap3A_26 = arith.constant 0 : index
    %swap3A_27 = vector.load %arg7[%swap3A, %swap3A_26] : memref<512x128xf32, #tpu.memory_space<vmem>>, vector<512x128xf32>
    tpu.vector_store %arg7[%swap3A, %swap3A_26], %mul3A_25 {strides = array<i32>} : memref<512x128xf32, #tpu.memory_space<vmem>>, vector<512x128xf32>,
    return
  }
  func.func @transform_0(%arg0: i32) -> (i32, i32) {
    %add3A = arith.constant 0 : i32
    %add3A_0 = arith.addi %arg0, %add3A : i32
    %c0_i32 = arith.constant 0 : i32
    %c0_i32_1 = arith.constant 0 : i32
    return %add3A_0, %c0_i32 : i32, i32
  }
  func.func @transform_1(%arg0: i32) -> (i32, i32) {
    %add3A = arith.constant 20 : i32
    %add3A_0 = arith.addi %arg0, %add3A : i32
    %c0_i32 = arith.constant 0 : i32
    %c0_i32_1 = arith.constant 0 : i32
    return %add3A_0, %c0_i32 : i32, i32
  }
  func.func @transform_2(%arg0: i32) -> (i32, i32) {
    %add3A = arith.constant 0 : i32
    %add3A_0 = arith.addi %arg0, %add3A : i32
    %c0_i32 = arith.constant 0 : i32
    %c0_i32_1 = arith.constant 0 : i32
    return %add3A_0, %c0_i32 : i32, i32
  }
  func.func @transform_3(%arg0: i32) -> (i32, i32) {
    %add3A = arith.constant 0 : i32
    %add3A_0 = arith.addi %arg0, %add3A : i32
    %c0_i32 = arith.constant 0 : i32
    %c0_i32_1 = arith.constant 0 : i32
    return %add3A_0, %c0_i32 : i32, i32
  }
  func.func @transform_4(%arg0: i32) -> (i32, i32) {
    %c0_i32 = arith.constant 0 : i32
    %c0_i32_0 = arith.constant 0 : i32
    %c0_i32_1 = arith.constant 0 : i32
    return %c0_i32, %c0_i32_0 : i32, i32
  }
  func.func @transform_5(%arg0: i32) -> (i32, i32) {
    %c0_i32 = arith.constant 0 : i32
    %c0_i32_0 = arith.constant 0 : i32
    %c0_i32_1 = arith.constant 0 : i32
    return %c0_i32, %c0_i32_0 : i32, i32
  }
  func.func @transform_6(%arg0: i32) -> (i32, i32) {
    %add3A = arith.constant 0 : i32
    %add3A_0 = arith.addi %arg0, %add3A : i32
    %c0_i32 = arith.constant 0 : i32
    %c0_i32_1 = arith.constant 0 : i32
    return %add3A_0, %c0_i32 : i32, i32
  }
}

module attributes {stable_mosaic.version = 14 : i64} {
  func.func @_mm1_body(%arg0: i32, %arg1: memref<512x128xf32, #tpu.memory_space<vmem>>, %arg2: memref<128x128xf32, #tpu.memory_space<vmem>>, %arg3: memref<512x1xf32, #tpu.memory_space<vmem>>, %arg4: memref<512x1xf32, #tpu.memory_space<vmem>>, %arg5: memref<512x128xf32, #tpu.memory_space<vmem>>, %arg6: memref<512x1xf32, #tpu.memory_space<vmem>>) attributes {dimension_semantics = [#tpu.dimension_semantics<arbitrary>], iteration_bounds = array<i64: 20>, scalar_prefetch = 0 : i64, scratch_operands = 0 : i64, tpu.core_type = #tpu.core_type<tc>, window_params = [{transform_indices = @transform_0, window_bounds = array<i64: 512, 128>}, {pipeline_mode = #tpu.pipeline_mode<synchronous>, transform_indices = @transform_1, window_bounds = array<i64: 128, 128>}, {transform_indices = @transform_2, window_bounds = array<i64: 512, 1>}, {transform_indices = @transform_3, window_bounds = array<i64: 512, 1>}, {transform_indices = @transform_4, window_bounds = array<i64: 512, 128>}, {transform_indices = @transform_5, window_bounds = array<i64: 512, 1>}]} {
    %get3A = arith.constant 0 : index
    %get3A_0 = arith.constant 0 : index
    %get3A_1 = vector.load %arg3[%get3A, %get3A_0] : memref<512x1xf32, #tpu.memory_space<vmem>>, vector<512x1xf32>
    %add3A = arith.constant 1.000000e+00 : f32
    %add3A_2 = vector.broadcast %add3A : f32 to vector<512x1xf32>
    %add3A_3 = arith.addf %add3A_2, %get3A_1 : vector<512x1xf32>
    %get3A_4 = arith.constant 0 : index
    %get3A_5 = arith.constant 0 : index
    %get3A_6 = vector.load %arg4[%get3A_4, %get3A_5] : memref<512x1xf32, #tpu.memory_space<vmem>>, vector<512x1xf32>
    %add3A_7 = arith.addf %add3A_3, %get3A_6 : vector<512x1xf32>
    %iota3A = tpu.iota {dimensions = array<i32: 0>} : vector<512x1xi32>
    %mul3A = arith.constant 512 : i32
    %mul3A_8 = arith.muli %arg0, %mul3A : i32
    %add3A_9 = vector.broadcast %mul3A_8 : i32 to vector<512x1xi32>
    %add3A_10 = arith.addi %iota3A, %add3A_9 : vector<512x1xi32>
    %lt3A = arith.constant 10000 : i32
    %lt3A_11 = vector.broadcast %lt3A : i32 to vector<512x1xi32>
    %lt3A_12 = arith.cmpi slt, %add3A_10, %lt3A_11 : vector<512x1xi32>
    %rsqrt3A = math.rsqrt %add3A_7 : vector<512x1xf32>
    %jit3A = arith.constant 0.000000e+00 : f32
    %broadcast_in_dim3A = vector.broadcast %jit3A : f32 to vector<512x1xf32>
    %select_n3A = arith.select %lt3A_12, %rsqrt3A, %broadcast_in_dim3A : vector<512x1xi1>, vector<512x1xf32>
    %swap3A = arith.constant 0 : index
    %swap3A_13 = arith.constant 0 : index
    %swap3A_14 = vector.load %arg6[%swap3A, %swap3A_13] : memref<512x1xf32, #tpu.memory_space<vmem>>, vector<512x1xf32>
    tpu.vector_store %arg6[%swap3A, %swap3A_13], %select_n3A {strides = array<i32>} : memref<512x1xf32, #tpu.memory_space<vmem>>, vector<512x1xf32>,
    %get3A_15 = arith.constant 0 : index
    %get3A_16 = arith.constant 0 : index
    %get3A_17 = vector.load %arg1[%get3A_15, %get3A_16] : memref<512x128xf32, #tpu.memory_space<vmem>>, vector<512x128xf32>
    %get3A_18 = arith.constant 0 : index
    %get3A_19 = arith.constant 0 : index
    %get3A_20 = vector.load %arg2[%get3A_18, %get3A_19] : memref<128x128xf32, #tpu.memory_space<vmem>>, vector<128x128xf32>
    %dot_general3A = arith.constant dense<0.000000e+00> : vector<512x128xf32>
    %dot_general3A_21 = tpu.matmul %get3A_17, %get3A_20, %dot_general3A {dimension_numbers = #tpu.dot_dimension_numbers<[1], [0], [0], [1], [0, 0, 1, 1], [], []>, transpose_lhs_hint = false} : vector<512x128xf32>, vector<128x128xf32>, vector<512x128xf32> -> vector<512x128xf32>
    %mul3A_22 = vector.broadcast %select_n3A : vector<512x1xf32> to vector<512x128xf32>
    %mul3A_23 = arith.mulf %dot_general3A_21, %mul3A_22 : vector<512x128xf32>
    %swap3A_24 = arith.constant 0 : index
    %swap3A_25 = arith.constant 0 : index
    %swap3A_26 = vector.load %arg5[%swap3A_24, %swap3A_25] : memref<512x128xf32, #tpu.memory_space<vmem>>, vector<512x128xf32>
    tpu.vector_store %arg5[%swap3A_24, %swap3A_25], %mul3A_23 {strides = array<i32>} : memref<512x128xf32, #tpu.memory_space<vmem>>, vector<512x128xf32>,
    return
  }
  func.func @transform_0(%arg0: i32) -> (i32, i32) {
    %add3A = arith.constant 0 : i32
    %add3A_0 = arith.addi %arg0, %add3A : i32
    %c0_i32 = arith.constant 0 : i32
    %c0_i32_1 = arith.constant 0 : i32
    return %add3A_0, %c0_i32 : i32, i32
  }
  func.func @transform_1(%arg0: i32) -> (i32, i32) {
    %c0_i32 = arith.constant 0 : i32
    %c0_i32_0 = arith.constant 0 : i32
    %c0_i32_1 = arith.constant 0 : i32
    return %c0_i32, %c0_i32_0 : i32, i32
  }
  func.func @transform_2(%arg0: i32) -> (i32, i32) {
    %add3A = arith.constant 0 : i32
    %add3A_0 = arith.addi %arg0, %add3A : i32
    %c0_i32 = arith.constant 0 : i32
    %c0_i32_1 = arith.constant 0 : i32
    return %add3A_0, %c0_i32 : i32, i32
  }
  func.func @transform_3(%arg0: i32) -> (i32, i32) {
    %add3A = arith.constant 20 : i32
    %add3A_0 = arith.addi %arg0, %add3A : i32
    %c0_i32 = arith.constant 0 : i32
    %c0_i32_1 = arith.constant 0 : i32
    return %add3A_0, %c0_i32 : i32, i32
  }
  func.func @transform_4(%arg0: i32) -> (i32, i32) {
    %add3A = arith.constant 0 : i32
    %add3A_0 = arith.addi %arg0, %add3A : i32
    %c0_i32 = arith.constant 0 : i32
    %c0_i32_1 = arith.constant 0 : i32
    return %add3A_0, %c0_i32 : i32, i32
  }
  func.func @transform_5(%arg0: i32) -> (i32, i32) {
    %add3A = arith.constant 0 : i32
    %add3A_0 = arith.addi %arg0, %add3A : i32
    %c0_i32 = arith.constant 0 : i32
    %c0_i32_1 = arith.constant 0 : i32
    return %add3A_0, %c0_i32 : i32, i32
  }
}

module attributes {stable_mosaic.version = 14 : i64} {
  func.func @_comb2_body(%arg0: i32, %arg1: memref<512x128xf32, #tpu.memory_space<vmem>>, %arg2: memref<512x128xf32, #tpu.memory_space<vmem>>, %arg3: memref<512x128xf32, #tpu.memory_space<vmem>>, %arg4: memref<512x1xf32, #tpu.memory_space<vmem>>, %arg5: memref<1x128xf32, #tpu.memory_space<vmem>>, %arg6: memref<512x128xf32, #tpu.memory_space<vmem>>) attributes {dimension_semantics = [#tpu.dimension_semantics<arbitrary>], iteration_bounds = array<i64: 20>, scalar_prefetch = 0 : i64, scratch_operands = 0 : i64, tpu.core_type = #tpu.core_type<tc>, window_params = [{transform_indices = @transform_0, window_bounds = array<i64: 512, 128>}, {transform_indices = @transform_1, window_bounds = array<i64: 512, 128>}, {transform_indices = @transform_2, window_bounds = array<i64: 512, 128>}, {transform_indices = @transform_3, window_bounds = array<i64: 512, 1>}, {pipeline_mode = #tpu.pipeline_mode<synchronous>, transform_indices = @transform_4, window_bounds = array<i64: 1, 128>}, {transform_indices = @transform_5, window_bounds = array<i64: 512, 128>}]} {
    %get3A = arith.constant 0 : index
    %get3A_0 = arith.constant 0 : index
    %get3A_1 = vector.load %arg4[%get3A, %get3A_0] : memref<512x1xf32, #tpu.memory_space<vmem>>, vector<512x1xf32>
    %get3A_2 = arith.constant 0 : index
    %get3A_3 = arith.constant 0 : index
    %get3A_4 = vector.load %arg1[%get3A_2, %get3A_3] : memref<512x128xf32, #tpu.memory_space<vmem>>, vector<512x128xf32>
    %get3A_5 = arith.constant 0 : index
    %get3A_6 = arith.constant 0 : index
    %get3A_7 = vector.load %arg2[%get3A_5, %get3A_6] : memref<512x128xf32, #tpu.memory_space<vmem>>, vector<512x128xf32>
    %add3A = arith.addf %get3A_4, %get3A_7 : vector<512x128xf32>
    %get3A_8 = arith.constant 0 : index
    %get3A_9 = arith.constant 0 : index
    %get3A_10 = vector.load %arg3[%get3A_8, %get3A_9] : memref<512x128xf32, #tpu.memory_space<vmem>>, vector<512x128xf32>
    %add3A_11 = arith.addf %add3A, %get3A_10 : vector<512x128xf32>
    %mul3A = vector.broadcast %get3A_1 : vector<512x1xf32> to vector<512x128xf32>
    %mul3A_12 = arith.mulf %mul3A, %add3A_11 : vector<512x128xf32>
    %get3A_13 = arith.constant 0 : index
    %get3A_14 = arith.constant 0 : index
    %get3A_15 = vector.load %arg5[%get3A_13, %get3A_14] : memref<1x128xf32, #tpu.memory_space<vmem>>, vector<1x128xf32>
    %add3A_16 = vector.broadcast %get3A_15 : vector<1x128xf32> to vector<512x128xf32>
    %add3A_17 = arith.addf %mul3A_12, %add3A_16 : vector<512x128xf32>
    %swap3A = arith.constant 0 : index
    %swap3A_18 = arith.constant 0 : index
    %swap3A_19 = vector.load %arg6[%swap3A, %swap3A_18] : memref<512x128xf32, #tpu.memory_space<vmem>>, vector<512x128xf32>
    tpu.vector_store %arg6[%swap3A, %swap3A_18], %add3A_17 {strides = array<i32>} : memref<512x128xf32, #tpu.memory_space<vmem>>, vector<512x128xf32>,
    return
  }
  func.func @transform_0(%arg0: i32) -> (i32, i32) {
    %add3A = arith.constant 0 : i32
    %add3A_0 = arith.addi %arg0, %add3A : i32
    %c0_i32 = arith.constant 0 : i32
    %c0_i32_1 = arith.constant 0 : i32
    return %add3A_0, %c0_i32 : i32, i32
  }
  func.func @transform_1(%arg0: i32) -> (i32, i32) {
    %add3A = arith.constant 20 : i32
    %add3A_0 = arith.addi %arg0, %add3A : i32
    %c0_i32 = arith.constant 0 : i32
    %c0_i32_1 = arith.constant 0 : i32
    return %add3A_0, %c0_i32 : i32, i32
  }
  func.func @transform_2(%arg0: i32) -> (i32, i32) {
    %add3A = arith.constant 0 : i32
    %add3A_0 = arith.addi %arg0, %add3A : i32
    %c0_i32 = arith.constant 0 : i32
    %c0_i32_1 = arith.constant 0 : i32
    return %add3A_0, %c0_i32 : i32, i32
  }
  func.func @transform_3(%arg0: i32) -> (i32, i32) {
    %add3A = arith.constant 0 : i32
    %add3A_0 = arith.addi %arg0, %add3A : i32
    %c0_i32 = arith.constant 0 : i32
    %c0_i32_1 = arith.constant 0 : i32
    return %add3A_0, %c0_i32 : i32, i32
  }
  func.func @transform_4(%arg0: i32) -> (i32, i32) {
    %c0_i32 = arith.constant 0 : i32
    %c0_i32_0 = arith.constant 0 : i32
    %c0_i32_1 = arith.constant 0 : i32
    return %c0_i32, %c0_i32_0 : i32, i32
  }
  func.func @transform_5(%arg0: i32) -> (i32, i32) {
    %add3A = arith.constant 0 : i32
    %add3A_0 = arith.addi %arg0, %add3A : i32
    %c0_i32 = arith.constant 0 : i32
    %c0_i32_1 = arith.constant 0 : i32
    return %add3A_0, %c0_i32 : i32, i32
  }
}

</mosaic_0001>

<sc_bundles>
// kernel: kernel.11.cloned.1.call-start
scs
__scs_entry_jumppad:
0x0: {  	(pc) =	sbr.rel $0x88, $3  }
0x1: {  	(tag) =	ssettag $0x0;
	lr =	simm.s32 $0x1  }
0x2: {  	[smem:$0x3F9B] =	sst lr;
	_ =	strace $0xD0000000  }
0x3: {  	_ = 	snop  }
0x4: {  	_ = 	snop  }
0x5: {  	_ = 	snop  }
0x6: {  	_ = 	snop  }
0x7: {  	_ = 	snop  }
__scs_overlays_trampoline_lowered:
0x8: {  	[smem:$0x3FAA] =	sst s0  }
0x9: {  	[smem:$0x3FAB] =	sst s1  }
0xa: {  	[smem:$0x3FAC] =	sst s2  }
0xb: {  	[smem:$0x3FAD] =	sst s3  }
0xc: {  	[smem:$0x3FAE] =	sst s4  }
0xd: {  	[smem:$0x3FAF] =	sst s5  }
0xe: {  	[smem:$0x3FB0] =	sst s6  }
0xf: {  	[smem:$0x3FB1] =	sst s7  }
0x10: {  	[smem:$0x3FB2] =	sst s8  }
0x11: {  	[smem:$0x3FB3] =	sst s9;
	s0 =	simm.s32 @!p0 $0x0  }
0x12: {  	s1 =	sld [smem:$0x3F99];
	s0 =	simm.s32 @p0 $0x1  }
0x13: {  	[smem:$0x3FB4] =	sst s0;
	s0 =	simm.s32 @!p1 $0x0  }
0x14: {  	s2 =	sld [smem:$0x3F98];
	s0 =	simm.s32 @p1 $0x1  }
0x15: {  	[smem:$0x3FB5] =	sst s0;
	s0 =	simm.s32 @!p2 $0x0  }
0x16: {  	s3 =	sld [smem:$0x3FDB];
	s0 =	simm.s32 @p2 $0x1  }
0x17: {  	s4 =	simm.s32 $0x1BF5;
	[smem:$0x3FB7] =	sst s0  }
0x18: {  	s0 =	sld [smem:$0x3F9A];
	_ =	swait.ge [sflag:s4], $0x0  }
0x19: {  	s7 =	sld [smem:$0x3F9B]  }
0x1a: {  	s8 =	sadd.s32 $0xFFFFE003, lr  }
0x1b: {  	s9 =	sadd.s32 $0xFFFFFEF7, lr;
	s5 =	simm.s32 $0xFFFFFFFF;
	p2 =	slt.u32 s8, $0xFFFFF086  }
0x1c: {  	p1 =	slt.u32 s9, $0xF7A;
	s5 =	simm.s32 @!p2 $0x0  }
0x1d: {  	s5 =	simm.s32 @p1 $0x1;
	p0 =	seq.s32 s7, s2  }
0x1e: {  	s7 =	smul.u32 @!p0 $0xF7A, s2;
	p2 =	seq.s32 @!p0 s5, $0x0  }
0x1f: {  	s9 =	smul.u32 $0xF7A, s1;
	s8 =	simm.s32 @!p0 $0x1BF5;
	p2 =	por !p2, p0  }
0x20: {  	[sflag:s8] =	ssyncset.s32 @!p0 $0xFFFFF086;
	s6 =	sadd.s32 @!p0 s3, s7;
	s7 =	simm.s32 @!p0 $0x108  }
0x21: {  	s3 =	sadd.s32 s3, s9;
	s6 =	sadd.s32 @!p0 $0x88, s6;
	s7 =	simm.s32 @p2 $0x1082  }
0x22: {  	[simem:s7], [sflag:s8] =	dma.local @!p0 [hbm:s6], $0xF7A  }
0x23: {  	s9 =	sor.u32 $0xD0000000, s2;
	s6 =	simm.s32 $0x108;
	_ =	swait.ge @!p0 [sflag:s8], $0x0  }
0x24: {  	s3 =	sadd.s32 $0x88, s3;
	s6 =	simm.s32 @!p1 $0x1082;
	[sflag:s4] =	ssyncset.s32 $0xFFFFF086  }
0x25: {  	[simem:s6], [sflag:s4] =	dma.local [hbm:s3], $0xF7A  }
0x26: {  	[smem:$0x3F9B] =	sst s1;
	(tag) =	ssettag s2;
	_ =	strace s9  }
0x27: {  	s1 =	sld [smem:$0x3FAB]  }
0x28: {  	s2 =	sld [smem:$0x3FAC]  }
0x29: {  	s4 =	sld [smem:$0x3FAE]  }
0x2a: {  	p0 =	seq.s32 s5, $0x0;
	s5 =	sld [smem:$0x3FAF]  }
0x2b: {  	s6 =	sld [smem:$0x3FB0]  }
0x2c: {  	s7 =	sld [smem:$0x3FB1]  }
0x2d: {  	s3 =	simm.s32 $0x108;
	s8 =	sld [smem:$0x3FB2]  }
0x2e: {  	s3 =	simm.s32 @!p0 $0x1082;
	s9 =	sld [smem:$0x3FB3]  }
0x2f: {  	lr =	sadd.s32 s0, s3;
	s0 =	sld [smem:$0x3FAA]  }
0x30: {  	s3 =	sld [smem:$0x3FAD]  }
0x31: {  	[smem:$0x3FB6] =	sst s10  }
0x32: {  	s10 =	sld [smem:$0x3FB4];
	_ =	sdelay $0x3  }
0x33: {  	p0 =	seq.s32 s10, $0x1;
	s10 =	sld [smem:$0x3FB6];
	_ =	sdelay $0x3  }
0x34: {  	[smem:$0x3FB6] =	sst s10  }
0x35: {  	s10 =	sld [smem:$0x3FB5];
	_ =	sdelay $0x3  }
0x36: {  	p1 =	seq.s32 s10, $0x1;
	s10 =	sld [smem:$0x3FB6];
	_ =	sdelay $0x3  }
0x37: {  	[smem:$0x3FB6] =	sst s10  }
0x38: {  	s10 =	sld [smem:$0x3FB7]  }
0x39: {  	_ = 	snop;
	(pc) =	sbr.ind lr, $3  }
0x3a: {  	_ = 	snop  }
0x3b: {  	_ = 	snop  }
0x3c: {  	p2 =	seq.s32 s10, $0x1;
	s10 =	sld [smem:$0x3FB6]  }
0x3d: {  	_ =	shalt  }
0x3e: {  	_ =	shalt  }
0x3f: {  	_ =	shalt  }
0x40: {  	_ =	shalt  }
0x41: {  	_ =	shalt  }
0x42: {  	_ =	shalt  }
0x43: {  	_ =	shalt  }
0x44: {  	_ =	shalt  }
0x45: {  	_ =	shalt  }
0x46: {  	_ =	shalt  }
0x47: {  	_ =	shalt  }
0x48: {  	_ =	shalt  }
0x49: {  	_ =	shalt  }
0x4a: {  	_ =	shalt  }
0x4b: {  	_ =	shalt  }
0x4c: {  	_ =	shalt  }
0x4d: {  	_ =	shalt  }
0x4e: {  	_ =	shalt  }
0x4f: {  	_ =	shalt  }
0x50: {  	_ =	shalt  }
0x51: {  	_ =	shalt  }
0x52: {  	_ =	shalt  }
0x53: {  	_ =	shalt  }
0x54: {  	_ =	shalt  }
0x55: {  	_ =	shalt  }
0x56: {  	_ =	shalt  }
0x57: {  	_ =	shalt  }
0x58: {  	_ =	shalt  }
0x59: {  	_ =	shalt  }
0x5a: {  	_ =	shalt  }
0x5b: {  	_ =	shalt  }
0x5c: {  	_ =	shalt  }
0x5d: {  	_ =	shalt  }
0x5e: {  	_ =	shalt  }
0x5f: {  	_ =	shalt  }
0x60: {  	_ =	shalt  }
0x61: {  	_ =	shalt  }
0x62: {  	_ =	shalt  }
0x63: {  	_ =	shalt  }
0x64: {  	_ =	shalt  }
0x65: {  	_ =	shalt  }
0x66: {  	_ =	shalt  }
0x67: {  	_ =	shalt  }
0x68: {  	_ =	shalt  }
0x69: {  	_ =	shalt  }
0x6a: {  	_ =	shalt  }
0x6b: {  	_ =	shalt  }
0x6c: {  	_ =	shalt  }
0x6d: {  	_ =	shalt  }
0x6e: {  	_ =	shalt  }
0x6f: {  	_ =	shalt  }
0x70: {  	_ =	shalt  }
0x71: {  	_ =	shalt  }
0x72: {  	_ =	shalt  }
0x73: {  	_ =	shalt  }
0x74: {  	_ =	shalt  }
0x75: {  	_ =	shalt  }
0x76: {  	_ =	shalt  }
0x77: {  	_ =	shalt  }
0x78: {  	_ =	shalt  }
0x79: {  	_ =	shalt  }
0x7a: {  	_ =	shalt  }
0x7b: {  	_ =	shalt  }
0x7c: {  	_ =	shalt  }
0x7d: {  	_ =	shalt  }
0x7e: {  	_ =	shalt  }
0x7f: {  	_ =	shalt  }
0x80: {  	_ =	shalt  }
0x81: {  	_ =	shalt  }
0x82: {  	_ =	shalt  }
0x83: {  	_ =	shalt  }
0x84: {  	_ =	shalt  }
0x85: {  	_ =	shalt  }
0x86: {  	_ =	shalt  }
0x87: {  	_ =	shalt  }
.Lfunc_end0:
.L_simem_size_0:
called_computation.1_lowered:
.L_overlay_start_0:
0x88: {  	s2 =	sld [smem:$0x3FD9]  }
0x89: {  	s3 =	sld [smem:$0x3FFE];
	_ =	sdelay $0x1  }
0x8a: {  	s1 =	srdreg.scid  }
0x8b: {  	s0 =	sand.u32 $0x1, s1  }
0x8c: {  	s17 =	sshll.u32 s0, $0xA;
	s2 =	sadd.s32 s3, s2  }
0x8d: {  	s2 =	sadd.s32 s2, s17  }
0x8e: {  	[smem:$0x3FC2] =	sst s2  }
0x8f: {  	_ = 	snop  }
0x90: {  	s2 =	sld [smem:$0x3FD0];
	(tm) =	ssettm $0x1  }
0x91: {  	s18 =	sld [smem:$0x3FFB];
	_ =	sdelay $0x3  }
0x92: {  	_ =	strace s18  }
0x93: {  	s3 =	sld [smem:$0x3FFC];
	_ =	sdelay $0x3  }
0x94: {  	_ =	strace s3  }
0x95: {  	s3 =	sld [smem:$0x3FFD];
	_ =	sdelay $0x3  }
0x96: {  	_ =	strace s3  }
0x97: {  	_ =	strace $0x8FFFFFFF  }
0x98: {  	s19 =	sld [smem:$0x3FDB];
	_ =	sdelay $0x1  }
0x99: {  	s4 =	simm.s32 $_scs_section_size  }
0x9a: {  	s5 =	simm.s32 $_size__tile_overlayer_lowered;
	s6 =	simm.s32 $_tile_overlayer_lowered  }
0x9b: {  	s22 =	simm.s32 $0x1BFF;
	s21 =	sshll.u32 s6, $0x1;
	s3 =	sadd.s32 s4, s19  }
0x9c: {  	s7 =	simm.s32 $0x0;
	s20 =	sshll.u32 s5, $0x1;
	s5 =	sadd.s32 s21, s3  }
0x9d: {  	[timem:s7], [sflag:s22] =	dma.local [hbm:s5], s20  }
0x9e: {  	_ =	swait.ge [sflag:s22], s20  }
0x9f: {  	s4 =	ssub.s32 $0x0, s20;
	[sflag:s22] =	ssyncset.done $0x0  }
0xa0: {  	[sflag:s22] =	ssyncadd.s32 s4;
	_ =	sdelay $0x1  }
0xa1: {  	s23 =	simm.s32 $0x1B8B  }
0xa2: {  	_ =	swait.ge [sflag:s23], $0x1  }
0xa3: {  	[sflag:s23] =	ssyncset.done $0x0  }
0xa4: {  	s25 =	simm.s32 $0x1B8E;
	s24 =	sld [smem:$0x3FFE];
	[sflag:s23] =	ssyncadd.s32 $0xFFFFFFFF  }
0xa5: {  	s26 =	simm.s32 $execute0_lowered;
	[smem:$0x3FD2] =	sst s25  }
0xa6: {  	s5 =	sshll.u32 s26, $0x1;
	_ =	strace $0x80000049;
	[dreg:$0x1] =	wrdreg $0xFFFFFFFF  }
0xa7: {  	s28 =	simm.s32 $_size_execute0_lowered;
	s3 =	sadd.s32 s3, s5;
	[dreg:$0x0] =	wrdreg $0x0  }
0xa8: {  	s5 =	sshll.u32 s28, $0x1;
	[dreg:$0x2] =	wrdreg s3  }
0xa9: {  	[dreg:$0x3] =	wrdreg s5  }
0xaa: {  	[dreg:$0x4] =	wrdreg $0xC0  }
0xab: {  	_ =	task [dreg:s7], $0x5FFFF  }
0xac: {  	[dreg:$0x1] =	wrdreg $0xFFFFFFFF  }
0xad: {  	[dreg:$0x0] =	wrdreg $0x60  }
0xae: {  	[dreg:$0x2] =	wrdreg s24  }
0xaf: {  	[dreg:$0x3] =	wrdreg s2  }
0xb0: {  	[dreg:$0x4] =	wrdreg $0x81000  }
0xb1: {  	[dreg:$0x5] =	wrdreg $0x9  }
0xb2: {  	_ =	task.clear_ibuf [dreg:s7], $0x6FFFF;
	_ =	strace $0x90000049  }
0xb3: {  	s29 =	simm.s32 $0x9;
	_ =	strace $0x8000004B  }
0xb4: {  	_ =	swait.ge [sflag:s29], $0x1  }
0xb5: {  	[sflag:s29] =	ssyncadd.s32 $0xFFFFFFFF  }
0xb6: {  	_ =	strace $0x9000004B  }
0xb7: {  	_ =	sfence  }
0xb8: {  	s30 =	sld [smem:$0x0];
	_ =	sdelay $0x2  }
0xb9: {  	s31 =	sshll.u32 s1, $0xD;
	s1 =	sshrl.u32 s1, $0x2  }
0xba: {  	s3 =	sand.u32 $0x4000, s31;
	s1 =	sadd.s32 s1, s30  }
0xbb: {  	s0 =	sor.u32 s3, s0;
	s1 =	sshll.u32 s1, $0x11  }
0xbc: {  	s0 =	sor.u32 s1, s0  }
0xbd: {  	s0 =	sadd.s32 $0x8F2B, s0  }
0xbe: {  	[sflag:s0] =	ssyncadd.remote.s32 $0x1  }
0xbf: {  	_ =	sfence.sel $0xFFFF  }
0xc0: {  	[dreg:$0x0] =	wrdreg $0xFFFFFFFF;
	(pc) =	sbr.abs _section_cstart, $3  }
0xc1: {  	[dreg:$0x1] =	wrdreg $0xFFFFFFFF  }
0xc2: {  	_ =	task.clear_ibuf [dreg:s7], $0x2FFFF;
	_ =	strace $0x9FFFFFFF  }
0xc3: {  	(tm) =	ssettm $0x7FFFFFFF  }
tec
execute0_lowered:
.L_overlay_start_1:
0x0: {  	(tag) =	ssettag $0x1  }
0x1: {  	s5 =	rddreg [dreg:$0x0]  }
0x2: {  	s11 =	rddreg [dreg:$0x1]  }
0x3: {  	s0 =	stileid.u32;
	s1 =	srdreg.scid  }
0x4: {  	s2 =	rddreg [dreg:$0x2];
	s3 =	simm.s32 $0x0;
	s17 =	simm.s32 $0x100  }
0x5: {  	s18 =	simm.s32 $0x1;
	s21 =	simm.s32 $0x0;
	s12 =	smul.u32 $0x9E0, s0  }
0x6: {  	s7 =	sand.u32 $0x1, s1;
	s6 =	smul.u32 $0x2800, s0;
	s1 =	rddreg [dreg:$0x3]  }
0x7: {  	[smem:$0x7FF] =	sst s3;
	s9 =	smul.u32 $0x50000, s0;
	s4 =	sadd.s32 $0xC400, s5  }
0x8: {  	s19 =	sshll.u32 s0, $0x6;
	s8 =	smul.u32 $0x28000, s7;
	_ =	strace $0x8000004A  }
0x9: {  	s30 =	ssub.s32 $0x2, s7;
	s15 =	smul.u32 $0x4F0, s7;
	s19 =	sor.u32 $0x1C02, s19  }
0xa: {  	s13 =	sadd.s32 s12, s5;
	s9 =	sshrl.u32 s9, $0x2;
	s31 =	sshrl.u32 s30, $0x1  }
0xb: {  	s16 =	sadd.s32 s12, s11;
	s6 =	sadd.s32 s6, s8;
	s14 =	ssub.s32 s30, s31  }
0xc: {  	s13 =	sadd.s32 s15, s13;
	s10 =	sadd.s32 s6, s5;
	s5 =	sadd.s32 s9, s2  }
0xd: {  	s11 =	smax.u32 s14, $0x1;
	s12 =	sadd.s32 $0x2600, s13;
	s13 =	sadd.s32 s15, s16  }
0xe: {  	s14 =	simm.s32 $0x4100;
	s15 =	simm.s32 $0x2;
	s16 =	simm.s32 $0x80  }
0xf: {  	s6 =	sadd.s32 $0x4000, s5;
	s7 =	sadd.s32 $0x8000, s5;
	s8 =	sadd.s32 $0xC000, s5  }
0x10: {  	v0 =	vimm.f32 $0.0e+00;
	s9 =	sadd.s32 $0x10000, s5;
	s10 =	sadd.s32 $0x34400, s10;
	s20 =	sshrl.u32 s5, $0x3  }
.LBB2_1:
0x11: {  	s22 =	simm.s32 $0x0;
	s23 =	simm.s32 $0x200  }
.LBB2_2:
0x12: {  	p0 =	sne.s32 s23, $0xFE00;
	[tilespmem:s22+$0x4170] =	vst v0  }
0x13: {  	[tilespmem:s22+$0x4100] =	vst v0  }
0x14: {  	[tilespmem:s22+$0x4110] =	vst v0  }
.Ltmp0:
0x15: {  	[tilespmem:s22+$0x4120] =	vst v0;
	(pc) =	sbr.rel @p0 .LBB2_2-.Ltmp0, $4  }
0x16: {  	[tilespmem:s22+$0x4130] =	vst v0  }
0x17: {  	[tilespmem:s22+$0x4140] =	vst v0  }
0x18: {  	[tilespmem:s22+$0x4150] =	vst v0  }
0x19: {  	[tilespmem:s22+$0x4160] =	vst v0;
	s22 =	sshra.s32 s23, $0x2;
	s23 =	sadd.s32 $0x200, s23  }
0x1a: {  	[tilespmem:s22+$0x4170] =	vst v0  }
0x1b: {  	[tilespmem:s22+$0x4100] =	vst v0  }
0x1c: {  	[tilespmem:s22+$0x4110] =	vst v0  }
0x1d: {  	[tilespmem:s22+$0x4120] =	vst v0  }
0x1e: {  	[tilespmem:s22+$0x4130] =	vst v0  }
0x1f: {  	[tilespmem:s22+$0x4140] =	vst v0  }
0x20: {  	[tilespmem:s22+$0x4150] =	vst v0  }
0x21: {  	[tilespmem:s22+$0x4160] =	vst v0  }
0x22: {  	[spmem:s5] =	stream.linear.scatter [tilespmem:s14], [sflag:$0x2], $0x4000, $0x38;
	[tilespmem:$0x1C100] =	vst v63  }
0x23: {  	_ =	swait.ge [sflag:s15], $0x4000  }
0x24: {  	[sflag:s15] =	ssyncset.done $0x0  }
0x25: {  	[sflag:s15] =	ssyncadd.s32 $0xFFFFC000  }
0x26: {  	[spmem:s6] =	stream.linear.scatter [tilespmem:s14], [sflag:$0x2], $0x4000, $0x38;
	[tilespmem:$0x1C100] =	vst v63  }
0x27: {  	_ =	swait.ge [sflag:s15], $0x4000  }
0x28: {  	[sflag:s15] =	ssyncset.done $0x0  }
0x29: {  	[sflag:s15] =	ssyncadd.s32 $0xFFFFC000  }
0x2a: {  	[spmem:s7] =	stream.linear.scatter [tilespmem:s14], [sflag:$0x2], $0x4000, $0x38;
	[tilespmem:$0x1C100] =	vst v63  }
0x2b: {  	_ =	swait.ge [sflag:s15], $0x4000  }
0x2c: {  	[sflag:s15] =	ssyncset.done $0x0  }
0x2d: {  	[sflag:s15] =	ssyncadd.s32 $0xFFFFC000  }
0x2e: {  	[spmem:s8] =	stream.linear.scatter [tilespmem:s14], [sflag:$0x2], $0x4000, $0x38;
	[tilespmem:$0x1C100] =	vst v63  }
0x2f: {  	_ =	swait.ge [sflag:s15], $0x4000  }
0x30: {  	[sflag:s15] =	ssyncset.done $0x0  }
0x31: {  	[sflag:s15] =	ssyncadd.s32 $0xFFFFC000  }
0x32: {  	[spmem:s9] =	stream.linear.scatter [tilespmem:s14], [sflag:$0x2], $0x4000, $0x38;
	[tilespmem:$0x1C100] =	vst v63  }
0x33: {  	_ =	swait.ge [sflag:s15], $0x4000  }
0x34: {  	[sflag:s15] =	ssyncset.done $0x0  }
0x35: {  	[sflag:s15] =	ssyncadd.s32 $0xFFFFC000  }
0x36: {  	s30 =	sadd.s32 $0x0, s13;
	[bflag:$0x0] =	sbarrier.arrive $0xFFFF  }
0x37: {  	[tilespmem:s3], [sflag:$0x2] =	stream.linear.gather [hbm4b:s30+s3], $0x80, $0x38;
	[tilespmem:$0x1C100] =	vst v63  }
0x38: {  	_ =	swait.ge [sflag:s15], $0x80  }
0x39: {  	[sflag:s15] =	ssyncset.done $0x0  }
0x3a: {  	s31 =	sadd.s32 $0x0, s12;
	[sflag:s15] =	ssyncadd.s32 $0xFFFFFF80  }
0x3b: {  	[tilespmem:s16], [sflag:$0x2] =	stream.linear.gather [hbm4b:s31+s3], $0x80, $0x38;
	[tilespmem:$0x1C100] =	vst v63  }
0x3c: {  	_ =	swait.ge [sflag:s15], $0x80  }
0x3d: {  	[sflag:s15] =	ssyncset.done $0x0  }
0x3e: {  	[sflag:s15] =	ssyncadd.s32 $0xFFFFFF80  }
0x3f: {  	[tilespmem:s17], [sflag:$0x1] =	stream.indirect.gather [hbm4b:s4+s16], $0x80, s3, s16, $0xb8;
	[tilespmem:$0x1C100] =	vst v63  }
0x40: {  	_ =	swait.ge [sflag:s18], $0x4000  }
0x41: {  	[sflag:s18] =	ssyncset.done $0x0  }
0x42: {  	[sflag:s18] =	ssyncadd.s32 $0xFFFFC000  }
0x43: {  	[spmem:s2] =	stream.indirect.scatter.add.f32 [tilespmem:s17], [sflag:$0x2], $0x80, s16, s16, $0xb8;
	[tilespmem:$0x1C100] =	vst v63  }
0x44: {  	_ =	swait.ge [sflag:s15], $0x4000  }
0x45: {  	s22 =	simm.s32 $0x10;
	s23 =	simm.s32 $0x20;
	[sflag:s15] =	ssyncset.done $0x0  }
.LBB2_4:
0x46: {  	s24 =	sadd.s32 s22, s13  }
0x47: {  	[sflag:s15] =	ssyncadd.s32 $0xFFFFC000;
	s25 =	smov.u32 s23;
	s26 =	sadd.s32 $0x10, s23  }
0x48: {  	[tilespmem:s3], [sflag:$0x2] =	stream.linear.gather [hbm4b:s24+s3], $0x80, $0x38;
	[tilespmem:$0x1C100] =	vst v63  }
0x49: {  	p0 =	sne.s32 s23, $0x4E0;
	_ =	swait.ge [sflag:s15], $0x80  }
0x4a: {  	[sflag:s15] =	ssyncset.done $0x0  }
0x4b: {  	s23 =	sadd.s32 s22, s12;
	s22 =	smov.u32 s25;
	[sflag:s15] =	ssyncadd.s32 $0xFFFFFF80  }
0x4c: {  	[tilespmem:s16], [sflag:$0x2] =	stream.linear.gather [hbm4b:s23+s3], $0x80, $0x38;
	[tilespmem:$0x1C100] =	vst v63  }
0x4d: {  	_ =	swait.ge [sflag:s15], $0x80  }
0x4e: {  	[sflag:s15] =	ssyncset.done $0x0  }
0x4f: {  	[sflag:s15] =	ssyncadd.s32 $0xFFFFFF80  }
0x50: {  	[tilespmem:s17], [sflag:$0x1] =	stream.indirect.gather [hbm4b:s4+s16], $0x80, s3, s16, $0xb8;
	[tilespmem:$0x1C100] =	vst v63  }
0x51: {  	_ =	swait.ge [sflag:s18], $0x4000  }
.Ltmp1:
0x52: {  	[sflag:s18] =	ssyncset.done $0x0;
	(pc) =	sbr.rel @p0 .LBB2_4-.Ltmp1, $4  }
0x53: {  	[sflag:s18] =	ssyncadd.s32 $0xFFFFC000  }
0x54: {  	[spmem:s2] =	stream.indirect.scatter.add.f32 [tilespmem:s17], [sflag:$0x2], $0x80, s16, s16, $0xb8;
	[tilespmem:$0x1C100] =	vst v63  }
0x55: {  	_ =	swait.ge [sflag:s15], $0x4000  }
0x56: {  	s23 =	smov.u32 s26;
	[sflag:s15] =	ssyncset.done $0x0  }
0x57: {  	s23 =	sadd.s32 s22, s13;
	[sflag:s15] =	ssyncadd.s32 $0xFFFFC000  }
0x58: {  	[tilespmem:s3], [sflag:$0x2] =	stream.linear.gather [hbm4b:s23+s3], $0x80, $0x38;
	[tilespmem:$0x1C100] =	vst v63  }
0x59: {  	_ =	swait.ge [sflag:s15], $0x80  }
0x5a: {  	[sflag:s15] =	ssyncset.done $0x0  }
0x5b: {  	s31 =	sadd.s32 s22, s12;
	[sflag:s15] =	ssyncadd.s32 $0xFFFFFF80  }
0x5c: {  	[tilespmem:s16], [sflag:$0x2] =	stream.linear.gather [hbm4b:s31+s3], $0x80, $0x38;
	[tilespmem:$0x1C100] =	vst v63  }
0x5d: {  	_ =	swait.ge [sflag:s15], $0x80  }
0x5e: {  	[sflag:s15] =	ssyncset.done $0x0  }
0x5f: {  	[sflag:s15] =	ssyncadd.s32 $0xFFFFFF80  }
0x60: {  	[tilespmem:s17], [sflag:$0x1] =	stream.indirect.gather [hbm4b:s4+s16], $0x80, s3, s16, $0xb8;
	[tilespmem:$0x1C100] =	vst v63  }
0x61: {  	_ =	swait.ge [sflag:s18], $0x4000  }
0x62: {  	[sflag:s18] =	ssyncset.done $0x0  }
0x63: {  	[sflag:s18] =	ssyncadd.s32 $0xFFFFC000  }
0x64: {  	[spmem:s2] =	stream.indirect.scatter.add.f32 [tilespmem:s17], [sflag:$0x2], $0x80, s16, s16, $0xb8;
	[tilespmem:$0x1C100] =	vst v63  }
0x65: {  	_ =	swait.ge [sflag:s15], $0x4000  }
0x66: {  	s21 =	sadd.s32 $0x1, s21;
	[sflag:s15] =	ssyncset.done $0x0  }
0x67: {  	p0 =	sne.s32 s21, s11;
	[sflag:s15] =	ssyncadd.s32 $0xFFFFC000  }
.Ltmp2:
0x68: {  	[bflag:$0x0] =	sbarrier.arrive $0xFFFF;
	(pc) =	sbr.rel @p0 .LBB2_1-.Ltmp2, $4  }
0x69: {  	[hbm:s10], [sflag:s19] =	dma.local [spmem:s20], $0x2800  }
0x6a: {  	_ =	swait.ge [sflag:s15], $0x2800  }
0x6b: {  	[sflag:s15] =	ssyncset.done $0x0  }
0x6c: {  	[sflag:s15] =	ssyncadd.s32 $0xFFFFD800  }
0x6d: {  	_ =	sfence.sel $0x180000  }
0x6e: {  	[bflag:$0x0] =	sbarrier.arrive $0xFFFF  }
0x6f: {  	p0 =	sne.s32 s0, $0x0;
	_ =	strace $0x9000004A  }
0x70: {  	s0 =	sadd.s32 @!p0 $0x100000, s1;
	[bflag:$0x2] =	sbarrier.arrive $0xFFFF  }
0x71: {  	[sflag:s0] =	ssyncadd.tile.s32 @!p0 $0x1;
	_ =	shalt  }
.Lfunc_end2:
_tile_overlayer_lowered:
.L_overlay_start_2:
0x72: {  	(tag) =	ssettag $0x2  }
0x73: {  	s0 =	rddreg [dreg:$0x0];
	s2 =	stileid.u32  }
0x74: {  	s1 =	rddreg [dreg:$0x1];
	p0 =	sne.s32 s2, $0x0  }
0x75: {  	s3 =	rddreg [dreg:$0x2];
	[bflag:$0x3] =	sbarrier.arrive $0xFFFF;
	s2 =	simm.s32 @!p0 $0x1C02  }
0x76: {  	[timem:s3], [sflag:s2] =	dma.local @!p0 [hbm:s0], s1  }
0x77: {  	s0 =	simm.s32 @!p0 $0x2  }
0x78: {  	_ =	swait.ge @!p0 [sflag:s0], s1  }
0x79: {  	s1 =	ssub.s32 @!p0 $0x0, s1;
	[sflag:s0] =	ssyncset.done @!p0 $0x0  }
0x7a: {  	[sflag:s0] =	ssyncadd.s32 @!p0 s1  }
0x7b: {  	[bflag:$0x3] =	sbarrier.arrive $0xFFFF  }
0x7c: {  	_ =	shalt  }

// kernel: kernel.14.cloned.1.call-start
scs
__scs_entry_jumppad:
0x0: {  	(pc) =	sbr.rel $0x88, $3  }
0x1: {  	(tag) =	ssettag $0x0;
	lr =	simm.s32 $0x1  }
0x2: {  	[smem:$0x3F9B] =	sst lr;
	_ =	strace $0xD0000000  }
0x3: {  	_ = 	snop  }
0x4: {  	_ = 	snop  }
0x5: {  	_ = 	snop  }
0x6: {  	_ = 	snop  }
0x7: {  	_ = 	snop  }
__scs_overlays_trampoline_lowered:
0x8: {  	[smem:$0x3FAA] =	sst s0  }
0x9: {  	[smem:$0x3FAB] =	sst s1  }
0xa: {  	[smem:$0x3FAC] =	sst s2  }
0xb: {  	[smem:$0x3FAD] =	sst s3  }
0xc: {  	[smem:$0x3FAE] =	sst s4  }
0xd: {  	[smem:$0x3FAF] =	sst s5  }
0xe: {  	[smem:$0x3FB0] =	sst s6  }
0xf: {  	[smem:$0x3FB1] =	sst s7  }
0x10: {  	[smem:$0x3FB2] =	sst s8  }
0x11: {  	[smem:$0x3FB3] =	sst s9;
	s0 =	simm.s32 @!p0 $0x0  }
0x12: {  	s1 =	sld [smem:$0x3F99];
	s0 =	simm.s32 @p0 $0x1  }
0x13: {  	[smem:$0x3FB4] =	sst s0;
	s0 =	simm.s32 @!p1 $0x0  }
0x14: {  	s2 =	sld [smem:$0x3F98];
	s0 =	simm.s32 @p1 $0x1  }
0x15: {  	[smem:$0x3FB5] =	sst s0;
	s0 =	simm.s32 @!p2 $0x0  }
0x16: {  	s3 =	sld [smem:$0x3FDB];
	s0 =	simm.s32 @p2 $0x1  }
0x17: {  	s4 =	simm.s32 $0x1BF5;
	[smem:$0x3FB7] =	sst s0  }
0x18: {  	s0 =	sld [smem:$0x3F9A];
	_ =	swait.ge [sflag:s4], $0x0  }
0x19: {  	s7 =	sld [smem:$0x3F9B]  }
0x1a: {  	s8 =	sadd.s32 $0xFFFFE003, lr  }
0x1b: {  	s9 =	sadd.s32 $0xFFFFFEF7, lr;
	s5 =	simm.s32 $0xFFFFFFFF;
	p2 =	slt.u32 s8, $0xFFFFF086  }
0x1c: {  	p1 =	slt.u32 s9, $0xF7A;
	s5 =	simm.s32 @!p2 $0x0  }
0x1d: {  	s5 =	simm.s32 @p1 $0x1;
	p0 =	seq.s32 s7, s2  }
0x1e: {  	s7 =	smul.u32 @!p0 $0xF7A, s2;
	p2 =	seq.s32 @!p0 s5, $0x0  }
0x1f: {  	s9 =	smul.u32 $0xF7A, s1;
	s8 =	simm.s32 @!p0 $0x1BF5;
	p2 =	por !p2, p0  }
0x20: {  	[sflag:s8] =	ssyncset.s32 @!p0 $0xFFFFF086;
	s6 =	sadd.s32 @!p0 s3, s7;
	s7 =	simm.s32 @!p0 $0x108  }
0x21: {  	s3 =	sadd.s32 s3, s9;
	s6 =	sadd.s32 @!p0 $0x88, s6;
	s7 =	simm.s32 @p2 $0x1082  }
0x22: {  	[simem:s7], [sflag:s8] =	dma.local @!p0 [hbm:s6], $0xF7A  }
0x23: {  	s9 =	sor.u32 $0xD0000000, s2;
	s6 =	simm.s32 $0x108;
	_ =	swait.ge @!p0 [sflag:s8], $0x0  }
0x24: {  	s3 =	sadd.s32 $0x88, s3;
	s6 =	simm.s32 @!p1 $0x1082;
	[sflag:s4] =	ssyncset.s32 $0xFFFFF086  }
0x25: {  	[simem:s6], [sflag:s4] =	dma.local [hbm:s3], $0xF7A  }
0x26: {  	[smem:$0x3F9B] =	sst s1;
	(tag) =	ssettag s2;
	_ =	strace s9  }
0x27: {  	s1 =	sld [smem:$0x3FAB]  }
0x28: {  	s2 =	sld [smem:$0x3FAC]  }
0x29: {  	s4 =	sld [smem:$0x3FAE]  }
0x2a: {  	p0 =	seq.s32 s5, $0x0;
	s5 =	sld [smem:$0x3FAF]  }
0x2b: {  	s6 =	sld [smem:$0x3FB0]  }
0x2c: {  	s7 =	sld [smem:$0x3FB1]  }
0x2d: {  	s3 =	simm.s32 $0x108;
	s8 =	sld [smem:$0x3FB2]  }
0x2e: {  	s3 =	simm.s32 @!p0 $0x1082;
	s9 =	sld [smem:$0x3FB3]  }
0x2f: {  	lr =	sadd.s32 s0, s3;
	s0 =	sld [smem:$0x3FAA]  }
0x30: {  	s3 =	sld [smem:$0x3FAD]  }
0x31: {  	[smem:$0x3FB6] =	sst s10  }
0x32: {  	s10 =	sld [smem:$0x3FB4];
	_ =	sdelay $0x3  }
0x33: {  	p0 =	seq.s32 s10, $0x1;
	s10 =	sld [smem:$0x3FB6];
	_ =	sdelay $0x3  }
0x34: {  	[smem:$0x3FB6] =	sst s10  }
0x35: {  	s10 =	sld [smem:$0x3FB5];
	_ =	sdelay $0x3  }
0x36: {  	p1 =	seq.s32 s10, $0x1;
	s10 =	sld [smem:$0x3FB6];
	_ =	sdelay $0x3  }
0x37: {  	[smem:$0x3FB6] =	sst s10  }
0x38: {  	s10 =	sld [smem:$0x3FB7]  }
0x39: {  	_ = 	snop;
	(pc) =	sbr.ind lr, $3  }
0x3a: {  	_ = 	snop  }
0x3b: {  	_ = 	snop  }
0x3c: {  	p2 =	seq.s32 s10, $0x1;
	s10 =	sld [smem:$0x3FB6]  }
0x3d: {  	_ =	shalt  }
0x3e: {  	_ =	shalt  }
0x3f: {  	_ =	shalt  }
0x40: {  	_ =	shalt  }
0x41: {  	_ =	shalt  }
0x42: {  	_ =	shalt  }
0x43: {  	_ =	shalt  }
0x44: {  	_ =	shalt  }
0x45: {  	_ =	shalt  }
0x46: {  	_ =	shalt  }
0x47: {  	_ =	shalt  }
0x48: {  	_ =	shalt  }
0x49: {  	_ =	shalt  }
0x4a: {  	_ =	shalt  }
0x4b: {  	_ =	shalt  }
0x4c: {  	_ =	shalt  }
0x4d: {  	_ =	shalt  }
0x4e: {  	_ =	shalt  }
0x4f: {  	_ =	shalt  }
0x50: {  	_ =	shalt  }
0x51: {  	_ =	shalt  }
0x52: {  	_ =	shalt  }
0x53: {  	_ =	shalt  }
0x54: {  	_ =	shalt  }
0x55: {  	_ =	shalt  }
0x56: {  	_ =	shalt  }
0x57: {  	_ =	shalt  }
0x58: {  	_ =	shalt  }
0x59: {  	_ =	shalt  }
0x5a: {  	_ =	shalt  }
0x5b: {  	_ =	shalt  }
0x5c: {  	_ =	shalt  }
0x5d: {  	_ =	shalt  }
0x5e: {  	_ =	shalt  }
0x5f: {  	_ =	shalt  }
0x60: {  	_ =	shalt  }
0x61: {  	_ =	shalt  }
0x62: {  	_ =	shalt  }
0x63: {  	_ =	shalt  }
0x64: {  	_ =	shalt  }
0x65: {  	_ =	shalt  }
0x66: {  	_ =	shalt  }
0x67: {  	_ =	shalt  }
0x68: {  	_ =	shalt  }
0x69: {  	_ =	shalt  }
0x6a: {  	_ =	shalt  }
0x6b: {  	_ =	shalt  }
0x6c: {  	_ =	shalt  }
0x6d: {  	_ =	shalt  }
0x6e: {  	_ =	shalt  }
0x6f: {  	_ =	shalt  }
0x70: {  	_ =	shalt  }
0x71: {  	_ =	shalt  }
0x72: {  	_ =	shalt  }
0x73: {  	_ =	shalt  }
0x74: {  	_ =	shalt  }
0x75: {  	_ =	shalt  }
0x76: {  	_ =	shalt  }
0x77: {  	_ =	shalt  }
0x78: {  	_ =	shalt  }
0x79: {  	_ =	shalt  }
0x7a: {  	_ =	shalt  }
0x7b: {  	_ =	shalt  }
0x7c: {  	_ =	shalt  }
0x7d: {  	_ =	shalt  }
0x7e: {  	_ =	shalt  }
0x7f: {  	_ =	shalt  }
0x80: {  	_ =	shalt  }
0x81: {  	_ =	shalt  }
0x82: {  	_ =	shalt  }
0x83: {  	_ =	shalt  }
0x84: {  	_ =	shalt  }
0x85: {  	_ =	shalt  }
0x86: {  	_ =	shalt  }
0x87: {  	_ =	shalt  }
.Lfunc_end0:
.L_simem_size_0:
called_computation.2_lowered:
.L_overlay_start_0:
0x88: {  	s2 =	sld [smem:$0x3FD9]  }
0x89: {  	s3 =	sld [smem:$0x3FFE];
	_ =	sdelay $0x1  }
0x8a: {  	s1 =	srdreg.scid  }
0x8b: {  	s0 =	sand.u32 $0x1, s1  }
0x8c: {  	s17 =	sshll.u32 s0, $0xA;
	s2 =	sadd.s32 s3, s2  }
0x8d: {  	s2 =	sadd.s32 s2, s17  }
0x8e: {  	[smem:$0x3FC2] =	sst s2  }
0x8f: {  	_ = 	snop  }
0x90: {  	s2 =	sld [smem:$0x3FD0];
	(tm) =	ssettm $0x1  }
0x91: {  	s18 =	sld [smem:$0x3FFB];
	_ =	sdelay $0x3  }
0x92: {  	_ =	strace s18  }
0x93: {  	s3 =	sld [smem:$0x3FFC];
	_ =	sdelay $0x3  }
0x94: {  	_ =	strace s3  }
0x95: {  	s3 =	sld [smem:$0x3FFD];
	_ =	sdelay $0x3  }
0x96: {  	_ =	strace s3  }
0x97: {  	_ =	strace $0x8FFFFFFF  }
0x98: {  	s19 =	sld [smem:$0x3FDB];
	_ =	sdelay $0x1  }
0x99: {  	s4 =	simm.s32 $_scs_section_size  }
0x9a: {  	s5 =	simm.s32 $_size__tile_overlayer_lowered;
	s6 =	simm.s32 $_tile_overlayer_lowered  }
0x9b: {  	s22 =	simm.s32 $0x1BFF;
	s21 =	sshll.u32 s6, $0x1;
	s3 =	sadd.s32 s4, s19  }
0x9c: {  	s7 =	simm.s32 $0x0;
	s20 =	sshll.u32 s5, $0x1;
	s5 =	sadd.s32 s21, s3  }
0x9d: {  	[timem:s7], [sflag:s22] =	dma.local [hbm:s5], s20  }
0x9e: {  	_ =	swait.ge [sflag:s22], s20  }
0x9f: {  	s4 =	ssub.s32 $0x0, s20;
	[sflag:s22] =	ssyncset.done $0x0  }
0xa0: {  	[sflag:s22] =	ssyncadd.s32 s4;
	_ =	sdelay $0x1  }
0xa1: {  	s23 =	simm.s32 $0x1B8B  }
0xa2: {  	_ =	swait.ge [sflag:s23], $0x1  }
0xa3: {  	[sflag:s23] =	ssyncset.done $0x0  }
0xa4: {  	s25 =	simm.s32 $0x1B8E;
	s24 =	sld [smem:$0x3FFE];
	[sflag:s23] =	ssyncadd.s32 $0xFFFFFFFF  }
0xa5: {  	s26 =	simm.s32 $execute0_lowered;
	[smem:$0x3FD2] =	sst s25  }
0xa6: {  	s5 =	sshll.u32 s26, $0x1;
	_ =	strace $0x8000004C;
	[dreg:$0x1] =	wrdreg $0xFFFFFFFF  }
0xa7: {  	s28 =	simm.s32 $_size_execute0_lowered;
	s3 =	sadd.s32 s3, s5;
	[dreg:$0x0] =	wrdreg $0x0  }
0xa8: {  	s5 =	sshll.u32 s28, $0x1;
	[dreg:$0x2] =	wrdreg s3  }
0xa9: {  	[dreg:$0x3] =	wrdreg s5  }
0xaa: {  	[dreg:$0x4] =	wrdreg $0xC0  }
0xab: {  	_ =	task [dreg:s7], $0x5FFFF  }
0xac: {  	[dreg:$0x1] =	wrdreg $0xFFFFFFFF  }
0xad: {  	[dreg:$0x0] =	wrdreg $0x60  }
0xae: {  	[dreg:$0x2] =	wrdreg s24  }
0xaf: {  	[dreg:$0x3] =	wrdreg s2  }
0xb0: {  	[dreg:$0x4] =	wrdreg $0x81000  }
0xb1: {  	[dreg:$0x5] =	wrdreg $0x9  }
0xb2: {  	_ =	task.clear_ibuf [dreg:s7], $0x6FFFF;
	_ =	strace $0x9000004C  }
0xb3: {  	s29 =	simm.s32 $0x9;
	_ =	strace $0x8000004E  }
0xb4: {  	_ =	swait.ge [sflag:s29], $0x1  }
0xb5: {  	[sflag:s29] =	ssyncadd.s32 $0xFFFFFFFF  }
0xb6: {  	_ =	strace $0x9000004E  }
0xb7: {  	_ =	sfence  }
0xb8: {  	s30 =	sld [smem:$0x0];
	_ =	sdelay $0x2  }
0xb9: {  	s31 =	sshll.u32 s1, $0xD;
	s1 =	sshrl.u32 s1, $0x2  }
0xba: {  	s3 =	sand.u32 $0x4000, s31;
	s1 =	sadd.s32 s1, s30  }
0xbb: {  	s0 =	sor.u32 s3, s0;
	s1 =	sshll.u32 s1, $0x11  }
0xbc: {  	s0 =	sor.u32 s1, s0  }
0xbd: {  	s0 =	sadd.s32 $0x8F2B, s0  }
0xbe: {  	[sflag:s0] =	ssyncadd.remote.s32 $0x1  }
0xbf: {  	_ =	sfence.sel $0xFFFF  }
0xc0: {  	[dreg:$0x0] =	wrdreg $0xFFFFFFFF;
	(pc) =	sbr.abs _section_cstart, $3  }
0xc1: {  	[dreg:$0x1] =	wrdreg $0xFFFFFFFF  }
0xc2: {  	_ =	task.clear_ibuf [dreg:s7], $0x2FFFF;
	_ =	strace $0x9FFFFFFF  }
0xc3: {  	(tm) =	ssettm $0x7FFFFFFF  }
tec
execute0_lowered:
.L_overlay_start_1:
0x0: {  	(tag) =	ssettag $0x1  }
0x1: {  	s5 =	rddreg [dreg:$0x0]  }
0x2: {  	s11 =	rddreg [dreg:$0x1]  }
0x3: {  	s0 =	stileid.u32;
	s1 =	srdreg.scid  }
0x4: {  	s2 =	rddreg [dreg:$0x2];
	s3 =	simm.s32 $0x0;
	s17 =	simm.s32 $0x100  }
0x5: {  	s18 =	simm.s32 $0x1;
	s21 =	simm.s32 $0x0;
	s12 =	smul.u32 $0x9E0, s0  }
0x6: {  	s7 =	sand.u32 $0x1, s1;
	s6 =	smul.u32 $0x2800, s0;
	s1 =	rddreg [dreg:$0x3]  }
0x7: {  	[smem:$0x7FF] =	sst s3;
	s9 =	smul.u32 $0x50000, s0;
	s4 =	sadd.s32 $0xC400, s5  }
0x8: {  	s19 =	sshll.u32 s0, $0x6;
	s8 =	smul.u32 $0x28000, s7;
	_ =	strace $0x8000004D  }
0x9: {  	s30 =	ssub.s32 $0x2, s7;
	s15 =	smul.u32 $0x4F0, s7;
	s19 =	sor.u32 $0x1C02, s19  }
0xa: {  	s13 =	sadd.s32 s12, s5;
	s9 =	sshrl.u32 s9, $0x2;
	s31 =	sshrl.u32 s30, $0x1  }
0xb: {  	s16 =	sadd.s32 s12, s11;
	s6 =	sadd.s32 s6, s8;
	s14 =	ssub.s32 s30, s31  }
0xc: {  	s13 =	sadd.s32 s15, s13;
	s10 =	sadd.s32 s6, s5;
	s5 =	sadd.s32 s9, s2  }
0xd: {  	s11 =	smax.u32 s14, $0x1;
	s12 =	sadd.s32 $0x2600, s13;
	s13 =	sadd.s32 s15, s16  }
0xe: {  	s14 =	simm.s32 $0x4100;
	s15 =	simm.s32 $0x2;
	s16 =	simm.s32 $0x80  }
0xf: {  	s6 =	sadd.s32 $0x4000, s5;
	s7 =	sadd.s32 $0x8000, s5;
	s8 =	sadd.s32 $0xC000, s5  }
0x10: {  	v0 =	vimm.f32 $0.0e+00;
	s9 =	sadd.s32 $0x10000, s5;
	s10 =	sadd.s32 $0x34400, s10;
	s20 =	sshrl.u32 s5, $0x3  }
.LBB2_1:
0x11: {  	s22 =	simm.s32 $0x0;
	s23 =	simm.s32 $0x200  }
.LBB2_2:
0x12: {  	p0 =	sne.s32 s23, $0xFE00;
	[tilespmem:s22+$0x4170] =	vst v0  }
0x13: {  	[tilespmem:s22+$0x4100] =	vst v0  }
0x14: {  	[tilespmem:s22+$0x4110] =	vst v0  }
.Ltmp0:
0x15: {  	[tilespmem:s22+$0x4120] =	vst v0;
	(pc) =	sbr.rel @p0 .LBB2_2-.Ltmp0, $4  }
0x16: {  	[tilespmem:s22+$0x4130] =	vst v0  }
0x17: {  	[tilespmem:s22+$0x4140] =	vst v0  }
0x18: {  	[tilespmem:s22+$0x4150] =	vst v0  }
0x19: {  	[tilespmem:s22+$0x4160] =	vst v0;
	s22 =	sshra.s32 s23, $0x2;
	s23 =	sadd.s32 $0x200, s23  }
0x1a: {  	[tilespmem:s22+$0x4170] =	vst v0  }
0x1b: {  	[tilespmem:s22+$0x4100] =	vst v0  }
0x1c: {  	[tilespmem:s22+$0x4110] =	vst v0  }
0x1d: {  	[tilespmem:s22+$0x4120] =	vst v0  }
0x1e: {  	[tilespmem:s22+$0x4130] =	vst v0  }
0x1f: {  	[tilespmem:s22+$0x4140] =	vst v0  }
0x20: {  	[tilespmem:s22+$0x4150] =	vst v0  }
0x21: {  	[tilespmem:s22+$0x4160] =	vst v0  }
0x22: {  	[spmem:s5] =	stream.linear.scatter [tilespmem:s14], [sflag:$0x2], $0x4000, $0x38;
	[tilespmem:$0x1C100] =	vst v63  }
0x23: {  	_ =	swait.ge [sflag:s15], $0x4000  }
0x24: {  	[sflag:s15] =	ssyncset.done $0x0  }
0x25: {  	[sflag:s15] =	ssyncadd.s32 $0xFFFFC000  }
0x26: {  	[spmem:s6] =	stream.linear.scatter [tilespmem:s14], [sflag:$0x2], $0x4000, $0x38;
	[tilespmem:$0x1C100] =	vst v63  }
0x27: {  	_ =	swait.ge [sflag:s15], $0x4000  }
0x28: {  	[sflag:s15] =	ssyncset.done $0x0  }
0x29: {  	[sflag:s15] =	ssyncadd.s32 $0xFFFFC000  }
0x2a: {  	[spmem:s7] =	stream.linear.scatter [tilespmem:s14], [sflag:$0x2], $0x4000, $0x38;
	[tilespmem:$0x1C100] =	vst v63  }
0x2b: {  	_ =	swait.ge [sflag:s15], $0x4000  }
0x2c: {  	[sflag:s15] =	ssyncset.done $0x0  }
0x2d: {  	[sflag:s15] =	ssyncadd.s32 $0xFFFFC000  }
0x2e: {  	[spmem:s8] =	stream.linear.scatter [tilespmem:s14], [sflag:$0x2], $0x4000, $0x38;
	[tilespmem:$0x1C100] =	vst v63  }
0x2f: {  	_ =	swait.ge [sflag:s15], $0x4000  }
0x30: {  	[sflag:s15] =	ssyncset.done $0x0  }
0x31: {  	[sflag:s15] =	ssyncadd.s32 $0xFFFFC000  }
0x32: {  	[spmem:s9] =	stream.linear.scatter [tilespmem:s14], [sflag:$0x2], $0x4000, $0x38;
	[tilespmem:$0x1C100] =	vst v63  }
0x33: {  	_ =	swait.ge [sflag:s15], $0x4000  }
0x34: {  	[sflag:s15] =	ssyncset.done $0x0  }
0x35: {  	[sflag:s15] =	ssyncadd.s32 $0xFFFFC000  }
0x36: {  	s30 =	sadd.s32 $0x0, s13;
	[bflag:$0x0] =	sbarrier.arrive $0xFFFF  }
0x37: {  	[tilespmem:s3], [sflag:$0x2] =	stream.linear.gather [hbm4b:s30+s3], $0x80, $0x38;
	[tilespmem:$0x1C100] =	vst v63  }
0x38: {  	_ =	swait.ge [sflag:s15], $0x80  }
0x39: {  	[sflag:s15] =	ssyncset.done $0x0  }
0x3a: {  	s31 =	sadd.s32 $0x0, s12;
	[sflag:s15] =	ssyncadd.s32 $0xFFFFFF80  }
0x3b: {  	[tilespmem:s16], [sflag:$0x2] =	stream.linear.gather [hbm4b:s31+s3], $0x80, $0x38;
	[tilespmem:$0x1C100] =	vst v63  }
0x3c: {  	_ =	swait.ge [sflag:s15], $0x80  }
0x3d: {  	[sflag:s15] =	ssyncset.done $0x0  }
0x3e: {  	[sflag:s15] =	ssyncadd.s32 $0xFFFFFF80  }
0x3f: {  	[tilespmem:s17], [sflag:$0x1] =	stream.indirect.gather [hbm4b:s4+s16], $0x80, s3, s16, $0xb8;
	[tilespmem:$0x1C100] =	vst v63  }
0x40: {  	_ =	swait.ge [sflag:s18], $0x4000  }
0x41: {  	[sflag:s18] =	ssyncset.done $0x0  }
0x42: {  	[sflag:s18] =	ssyncadd.s32 $0xFFFFC000  }
0x43: {  	[spmem:s2] =	stream.indirect.scatter.add.f32 [tilespmem:s17], [sflag:$0x2], $0x80, s16, s16, $0xb8;
	[tilespmem:$0x1C100] =	vst v63  }
0x44: {  	_ =	swait.ge [sflag:s15], $0x4000  }
0x45: {  	s22 =	simm.s32 $0x10;
	s23 =	simm.s32 $0x20;
	[sflag:s15] =	ssyncset.done $0x0  }
.LBB2_4:
0x46: {  	s24 =	sadd.s32 s22, s13  }
0x47: {  	[sflag:s15] =	ssyncadd.s32 $0xFFFFC000;
	s25 =	smov.u32 s23;
	s26 =	sadd.s32 $0x10, s23  }
0x48: {  	[tilespmem:s3], [sflag:$0x2] =	stream.linear.gather [hbm4b:s24+s3], $0x80, $0x38;
	[tilespmem:$0x1C100] =	vst v63  }
0x49: {  	p0 =	sne.s32 s23, $0x4E0;
	_ =	swait.ge [sflag:s15], $0x80  }
0x4a: {  	[sflag:s15] =	ssyncset.done $0x0  }
0x4b: {  	s23 =	sadd.s32 s22, s12;
	s22 =	smov.u32 s25;
	[sflag:s15] =	ssyncadd.s32 $0xFFFFFF80  }
0x4c: {  	[tilespmem:s16], [sflag:$0x2] =	stream.linear.gather [hbm4b:s23+s3], $0x80, $0x38;
	[tilespmem:$0x1C100] =	vst v63  }
0x4d: {  	_ =	swait.ge [sflag:s15], $0x80  }
0x4e: {  	[sflag:s15] =	ssyncset.done $0x0  }
0x4f: {  	[sflag:s15] =	ssyncadd.s32 $0xFFFFFF80  }
0x50: {  	[tilespmem:s17], [sflag:$0x1] =	stream.indirect.gather [hbm4b:s4+s16], $0x80, s3, s16, $0xb8;
	[tilespmem:$0x1C100] =	vst v63  }
0x51: {  	_ =	swait.ge [sflag:s18], $0x4000  }
.Ltmp1:
0x52: {  	[sflag:s18] =	ssyncset.done $0x0;
	(pc) =	sbr.rel @p0 .LBB2_4-.Ltmp1, $4  }
0x53: {  	[sflag:s18] =	ssyncadd.s32 $0xFFFFC000  }
0x54: {  	[spmem:s2] =	stream.indirect.scatter.add.f32 [tilespmem:s17], [sflag:$0x2], $0x80, s16, s16, $0xb8;
	[tilespmem:$0x1C100] =	vst v63  }
0x55: {  	_ =	swait.ge [sflag:s15], $0x4000  }
0x56: {  	s23 =	smov.u32 s26;
	[sflag:s15] =	ssyncset.done $0x0  }
0x57: {  	s23 =	sadd.s32 s22, s13;
	[sflag:s15] =	ssyncadd.s32 $0xFFFFC000  }
0x58: {  	[tilespmem:s3], [sflag:$0x2] =	stream.linear.gather [hbm4b:s23+s3], $0x80, $0x38;
	[tilespmem:$0x1C100] =	vst v63  }
0x59: {  	_ =	swait.ge [sflag:s15], $0x80  }
0x5a: {  	[sflag:s15] =	ssyncset.done $0x0  }
0x5b: {  	s31 =	sadd.s32 s22, s12;
	[sflag:s15] =	ssyncadd.s32 $0xFFFFFF80  }
0x5c: {  	[tilespmem:s16], [sflag:$0x2] =	stream.linear.gather [hbm4b:s31+s3], $0x80, $0x38;
	[tilespmem:$0x1C100] =	vst v63  }
0x5d: {  	_ =	swait.ge [sflag:s15], $0x80  }
0x5e: {  	[sflag:s15] =	ssyncset.done $0x0  }
0x5f: {  	[sflag:s15] =	ssyncadd.s32 $0xFFFFFF80  }
0x60: {  	[tilespmem:s17], [sflag:$0x1] =	stream.indirect.gather [hbm4b:s4+s16], $0x80, s3, s16, $0xb8;
	[tilespmem:$0x1C100] =	vst v63  }
0x61: {  	_ =	swait.ge [sflag:s18], $0x4000  }
0x62: {  	[sflag:s18] =	ssyncset.done $0x0  }
0x63: {  	[sflag:s18] =	ssyncadd.s32 $0xFFFFC000  }
0x64: {  	[spmem:s2] =	stream.indirect.scatter.add.f32 [tilespmem:s17], [sflag:$0x2], $0x80, s16, s16, $0xb8;
	[tilespmem:$0x1C100] =	vst v63  }
0x65: {  	_ =	swait.ge [sflag:s15], $0x4000  }
0x66: {  	s21 =	sadd.s32 $0x1, s21;
	[sflag:s15] =	ssyncset.done $0x0  }
0x67: {  	p0 =	sne.s32 s21, s11;
	[sflag:s15] =	ssyncadd.s32 $0xFFFFC000  }
.Ltmp2:
0x68: {  	[bflag:$0x0] =	sbarrier.arrive $0xFFFF;
	(pc) =	sbr.rel @p0 .LBB2_1-.Ltmp2, $4  }
0x69: {  	[hbm:s10], [sflag:s19] =	dma.local [spmem:s20], $0x2800  }
0x6a: {  	_ =	swait.ge [sflag:s15], $0x2800  }
0x6b: {  	[sflag:s15] =	ssyncset.done $0x0  }
0x6c: {  	[sflag:s15] =	ssyncadd.s32 $0xFFFFD800  }
0x6d: {  	_ =	sfence.sel $0x180000  }
0x6e: {  	[bflag:$0x0] =	sbarrier.arrive $0xFFFF  }
0x6f: {  	p0 =	sne.s32 s0, $0x0;
	_ =	strace $0x9000004D  }
0x70: {  	s0 =	sadd.s32 @!p0 $0x100000, s1;
	[bflag:$0x2] =	sbarrier.arrive $0xFFFF  }
0x71: {  	[sflag:s0] =	ssyncadd.tile.s32 @!p0 $0x1;
	_ =	shalt  }
.Lfunc_end2:
_tile_overlayer_lowered:
.L_overlay_start_2:
0x72: {  	(tag) =	ssettag $0x2  }
0x73: {  	s0 =	rddreg [dreg:$0x0];
	s2 =	stileid.u32  }
0x74: {  	s1 =	rddreg [dreg:$0x1];
	p0 =	sne.s32 s2, $0x0  }
0x75: {  	s3 =	rddreg [dreg:$0x2];
	[bflag:$0x3] =	sbarrier.arrive $0xFFFF;
	s2 =	simm.s32 @!p0 $0x1C02  }
0x76: {  	[timem:s3], [sflag:s2] =	dma.local @!p0 [hbm:s0], s1  }
0x77: {  	s0 =	simm.s32 @!p0 $0x2  }
0x78: {  	_ =	swait.ge @!p0 [sflag:s0], s1  }
0x79: {  	s1 =	ssub.s32 @!p0 $0x0, s1;
	[sflag:s0] =	ssyncset.done @!p0 $0x0  }
0x7a: {  	[sflag:s0] =	ssyncadd.s32 @!p0 s1  }
0x7b: {  	[bflag:$0x3] =	sbarrier.arrive $0xFFFF  }
0x7c: {  	_ =	shalt  }

// kernel: kernel.8.cloned.1.call-start
scs
__scs_entry_jumppad:
0x0: {  	(pc) =	sbr.rel $0x88, $3  }
0x1: {  	(tag) =	ssettag $0x0;
	lr =	simm.s32 $0x1  }
0x2: {  	[smem:$0x3F9B] =	sst lr;
	_ =	strace $0xD0000000  }
0x3: {  	_ = 	snop  }
0x4: {  	_ = 	snop  }
0x5: {  	_ = 	snop  }
0x6: {  	_ = 	snop  }
0x7: {  	_ = 	snop  }
__scs_overlays_trampoline_lowered:
0x8: {  	[smem:$0x3FAA] =	sst s0  }
0x9: {  	[smem:$0x3FAB] =	sst s1  }
0xa: {  	[smem:$0x3FAC] =	sst s2  }
0xb: {  	[smem:$0x3FAD] =	sst s3  }
0xc: {  	[smem:$0x3FAE] =	sst s4  }
0xd: {  	[smem:$0x3FAF] =	sst s5  }
0xe: {  	[smem:$0x3FB0] =	sst s6  }
0xf: {  	[smem:$0x3FB1] =	sst s7  }
0x10: {  	[smem:$0x3FB2] =	sst s8  }
0x11: {  	[smem:$0x3FB3] =	sst s9;
	s0 =	simm.s32 @!p0 $0x0  }
0x12: {  	s1 =	sld [smem:$0x3F99];
	s0 =	simm.s32 @p0 $0x1  }
0x13: {  	[smem:$0x3FB4] =	sst s0;
	s0 =	simm.s32 @!p1 $0x0  }
0x14: {  	s2 =	sld [smem:$0x3F98];
	s0 =	simm.s32 @p1 $0x1  }
0x15: {  	[smem:$0x3FB5] =	sst s0;
	s0 =	simm.s32 @!p2 $0x0  }
0x16: {  	s3 =	sld [smem:$0x3FDB];
	s0 =	simm.s32 @p2 $0x1  }
0x17: {  	s4 =	simm.s32 $0x1BF5;
	[smem:$0x3FB7] =	sst s0  }
0x18: {  	s0 =	sld [smem:$0x3F9A];
	_ =	swait.ge [sflag:s4], $0x0  }
0x19: {  	s7 =	sld [smem:$0x3F9B]  }
0x1a: {  	s8 =	sadd.s32 $0xFFFFE003, lr  }
0x1b: {  	s9 =	sadd.s32 $0xFFFFFEF7, lr;
	s5 =	simm.s32 $0xFFFFFFFF;
	p2 =	slt.u32 s8, $0xFFFFF086  }
0x1c: {  	p1 =	slt.u32 s9, $0xF7A;
	s5 =	simm.s32 @!p2 $0x0  }
0x1d: {  	s5 =	simm.s32 @p1 $0x1;
	p0 =	seq.s32 s7, s2  }
0x1e: {  	s7 =	smul.u32 @!p0 $0xF7A, s2;
	p2 =	seq.s32 @!p0 s5, $0x0  }
0x1f: {  	s9 =	smul.u32 $0xF7A, s1;
	s8 =	simm.s32 @!p0 $0x1BF5;
	p2 =	por !p2, p0  }
0x20: {  	[sflag:s8] =	ssyncset.s32 @!p0 $0xFFFFF086;
	s6 =	sadd.s32 @!p0 s3, s7;
	s7 =	simm.s32 @!p0 $0x108  }
0x21: {  	s3 =	sadd.s32 s3, s9;
	s6 =	sadd.s32 @!p0 $0x88, s6;
	s7 =	simm.s32 @p2 $0x1082  }
0x22: {  	[simem:s7], [sflag:s8] =	dma.local @!p0 [hbm:s6], $0xF7A  }
0x23: {  	s9 =	sor.u32 $0xD0000000, s2;
	s6 =	simm.s32 $0x108;
	_ =	swait.ge @!p0 [sflag:s8], $0x0  }
0x24: {  	s3 =	sadd.s32 $0x88, s3;
	s6 =	simm.s32 @!p1 $0x1082;
	[sflag:s4] =	ssyncset.s32 $0xFFFFF086  }
0x25: {  	[simem:s6], [sflag:s4] =	dma.local [hbm:s3], $0xF7A  }
0x26: {  	[smem:$0x3F9B] =	sst s1;
	(tag) =	ssettag s2;
	_ =	strace s9  }
0x27: {  	s1 =	sld [smem:$0x3FAB]  }
0x28: {  	s2 =	sld [smem:$0x3FAC]  }
0x29: {  	s4 =	sld [smem:$0x3FAE]  }
0x2a: {  	p0 =	seq.s32 s5, $0x0;
	s5 =	sld [smem:$0x3FAF]  }
0x2b: {  	s6 =	sld [smem:$0x3FB0]  }
0x2c: {  	s7 =	sld [smem:$0x3FB1]  }
0x2d: {  	s3 =	simm.s32 $0x108;
	s8 =	sld [smem:$0x3FB2]  }
0x2e: {  	s3 =	simm.s32 @!p0 $0x1082;
	s9 =	sld [smem:$0x3FB3]  }
0x2f: {  	lr =	sadd.s32 s0, s3;
	s0 =	sld [smem:$0x3FAA]  }
0x30: {  	s3 =	sld [smem:$0x3FAD]  }
0x31: {  	[smem:$0x3FB6] =	sst s10  }
0x32: {  	s10 =	sld [smem:$0x3FB4];
	_ =	sdelay $0x3  }
0x33: {  	p0 =	seq.s32 s10, $0x1;
	s10 =	sld [smem:$0x3FB6];
	_ =	sdelay $0x3  }
0x34: {  	[smem:$0x3FB6] =	sst s10  }
0x35: {  	s10 =	sld [smem:$0x3FB5];
	_ =	sdelay $0x3  }
0x36: {  	p1 =	seq.s32 s10, $0x1;
	s10 =	sld [smem:$0x3FB6];
	_ =	sdelay $0x3  }
0x37: {  	[smem:$0x3FB6] =	sst s10  }
0x38: {  	s10 =	sld [smem:$0x3FB7]  }
0x39: {  	_ = 	snop;
	(pc) =	sbr.ind lr, $3  }
0x3a: {  	_ = 	snop  }
0x3b: {  	_ = 	snop  }
0x3c: {  	p2 =	seq.s32 s10, $0x1;
	s10 =	sld [smem:$0x3FB6]  }
0x3d: {  	_ =	shalt  }
0x3e: {  	_ =	shalt  }
0x3f: {  	_ =	shalt  }
0x40: {  	_ =	shalt  }
0x41: {  	_ =	shalt  }
0x42: {  	_ =	shalt  }
0x43: {  	_ =	shalt  }
0x44: {  	_ =	shalt  }
0x45: {  	_ =	shalt  }
0x46: {  	_ =	shalt  }
0x47: {  	_ =	shalt  }
0x48: {  	_ =	shalt  }
0x49: {  	_ =	shalt  }
0x4a: {  	_ =	shalt  }
0x4b: {  	_ =	shalt  }
0x4c: {  	_ =	shalt  }
0x4d: {  	_ =	shalt  }
0x4e: {  	_ =	shalt  }
0x4f: {  	_ =	shalt  }
0x50: {  	_ =	shalt  }
0x51: {  	_ =	shalt  }
0x52: {  	_ =	shalt  }
0x53: {  	_ =	shalt  }
0x54: {  	_ =	shalt  }
0x55: {  	_ =	shalt  }
0x56: {  	_ =	shalt  }
0x57: {  	_ =	shalt  }
0x58: {  	_ =	shalt  }
0x59: {  	_ =	shalt  }
0x5a: {  	_ =	shalt  }
0x5b: {  	_ =	shalt  }
0x5c: {  	_ =	shalt  }
0x5d: {  	_ =	shalt  }
0x5e: {  	_ =	shalt  }
0x5f: {  	_ =	shalt  }
0x60: {  	_ =	shalt  }
0x61: {  	_ =	shalt  }
0x62: {  	_ =	shalt  }
0x63: {  	_ =	shalt  }
0x64: {  	_ =	shalt  }
0x65: {  	_ =	shalt  }
0x66: {  	_ =	shalt  }
0x67: {  	_ =	shalt  }
0x68: {  	_ =	shalt  }
0x69: {  	_ =	shalt  }
0x6a: {  	_ =	shalt  }
0x6b: {  	_ =	shalt  }
0x6c: {  	_ =	shalt  }
0x6d: {  	_ =	shalt  }
0x6e: {  	_ =	shalt  }
0x6f: {  	_ =	shalt  }
0x70: {  	_ =	shalt  }
0x71: {  	_ =	shalt  }
0x72: {  	_ =	shalt  }
0x73: {  	_ =	shalt  }
0x74: {  	_ =	shalt  }
0x75: {  	_ =	shalt  }
0x76: {  	_ =	shalt  }
0x77: {  	_ =	shalt  }
0x78: {  	_ =	shalt  }
0x79: {  	_ =	shalt  }
0x7a: {  	_ =	shalt  }
0x7b: {  	_ =	shalt  }
0x7c: {  	_ =	shalt  }
0x7d: {  	_ =	shalt  }
0x7e: {  	_ =	shalt  }
0x7f: {  	_ =	shalt  }
0x80: {  	_ =	shalt  }
0x81: {  	_ =	shalt  }
0x82: {  	_ =	shalt  }
0x83: {  	_ =	shalt  }
0x84: {  	_ =	shalt  }
0x85: {  	_ =	shalt  }
0x86: {  	_ =	shalt  }
0x87: {  	_ =	shalt  }
.Lfunc_end0:
.L_simem_size_0:
called_computation_lowered:
.L_overlay_start_0:
0x88: {  	s2 =	sld [smem:$0x3FD9]  }
0x89: {  	s3 =	sld [smem:$0x3FFE];
	_ =	sdelay $0x1  }
0x8a: {  	s1 =	srdreg.scid  }
0x8b: {  	s0 =	sand.u32 $0x1, s1  }
0x8c: {  	s16 =	sshll.u32 s0, $0xA;
	s2 =	sadd.s32 s3, s2  }
0x8d: {  	s2 =	sadd.s32 s2, s16  }
0x8e: {  	[smem:$0x3FC2] =	sst s2  }
0x8f: {  	_ = 	snop  }
0x90: {  	(tm) =	ssettm $0x1  }
0x91: {  	s17 =	sld [smem:$0x3FFB];
	_ =	sdelay $0x3  }
0x92: {  	_ =	strace s17  }
0x93: {  	s2 =	sld [smem:$0x3FFC];
	_ =	sdelay $0x3  }
0x94: {  	_ =	strace s2  }
0x95: {  	s2 =	sld [smem:$0x3FFD];
	_ =	sdelay $0x3  }
0x96: {  	_ =	strace s2  }
0x97: {  	_ =	strace $0x8FFFFFFF  }
0x98: {  	s18 =	sld [smem:$0x3FDB];
	_ =	sdelay $0x1  }
0x99: {  	s19 =	simm.s32 $_scs_section_size  }
0x9a: {  	s4 =	simm.s32 $_size__tile_overlayer_lowered;
	s5 =	simm.s32 $_tile_overlayer_lowered  }
0x9b: {  	s22 =	simm.s32 $0x1BFF;
	s21 =	sshll.u32 s5, $0x1;
	s2 =	sadd.s32 s19, s18  }
0x9c: {  	s6 =	simm.s32 $0x0;
	s20 =	sshll.u32 s4, $0x1;
	s4 =	sadd.s32 s21, s2  }
0x9d: {  	[timem:s6], [sflag:s22] =	dma.local [hbm:s4], s20  }
0x9e: {  	_ =	swait.ge [sflag:s22], s20  }
0x9f: {  	s3 =	ssub.s32 $0x0, s20;
	[sflag:s22] =	ssyncset.done $0x0  }
0xa0: {  	[sflag:s22] =	ssyncadd.s32 s3;
	_ =	sdelay $0x1  }
0xa1: {  	s23 =	simm.s32 $0x1B8B  }
0xa2: {  	_ =	swait.ge [sflag:s23], $0x1  }
0xa3: {  	[sflag:s23] =	ssyncset.done $0x0  }
0xa4: {  	s25 =	simm.s32 $0x1B8E;
	s24 =	sld [smem:$0x3FFE];
	[sflag:s23] =	ssyncadd.s32 $0xFFFFFFFF  }
0xa5: {  	s26 =	simm.s32 $execute0_lowered;
	[smem:$0x3FD2] =	sst s25  }
0xa6: {  	s4 =	sshll.u32 s26, $0x1;
	_ =	strace $0x80000046;
	[dreg:$0x1] =	wrdreg $0xFFFFFFFF  }
0xa7: {  	s28 =	simm.s32 $_size_execute0_lowered;
	s2 =	sadd.s32 s2, s4;
	[dreg:$0x0] =	wrdreg $0x0  }
0xa8: {  	s4 =	sshll.u32 s28, $0x1;
	[dreg:$0x2] =	wrdreg s2  }
0xa9: {  	[dreg:$0x3] =	wrdreg s4  }
0xaa: {  	[dreg:$0x4] =	wrdreg $0xC0  }
0xab: {  	_ =	task [dreg:s6], $0x5FFFF  }
0xac: {  	[dreg:$0x1] =	wrdreg $0xFFFFFFFF  }
0xad: {  	[dreg:$0x0] =	wrdreg $0x60  }
0xae: {  	[dreg:$0x2] =	wrdreg s24  }
0xaf: {  	[dreg:$0x3] =	wrdreg $0x3800  }
0xb0: {  	[dreg:$0x4] =	wrdreg $0x9  }
0xb1: {  	_ =	task.clear_ibuf [dreg:s6], $0x5FFFF;
	_ =	strace $0x90000046  }
0xb2: {  	s29 =	simm.s32 $0x9;
	_ =	strace $0x80000048  }
0xb3: {  	_ =	swait.ge [sflag:s29], $0x1  }
0xb4: {  	[sflag:s29] =	ssyncadd.s32 $0xFFFFFFFF  }
0xb5: {  	_ =	strace $0x90000048  }
0xb6: {  	_ =	sfence  }
0xb7: {  	s30 =	sld [smem:$0x0];
	_ =	sdelay $0x2  }
0xb8: {  	s31 =	sshll.u32 s1, $0xD;
	s1 =	sshrl.u32 s1, $0x2  }
0xb9: {  	s3 =	sand.u32 $0x4000, s31;
	s1 =	sadd.s32 s1, s30  }
0xba: {  	s0 =	sor.u32 s3, s0;
	s1 =	sshll.u32 s1, $0x11  }
0xbb: {  	s0 =	sor.u32 s1, s0  }
0xbc: {  	s0 =	sadd.s32 $0x8F2B, s0  }
0xbd: {  	[sflag:s0] =	ssyncadd.remote.s32 $0x1  }
0xbe: {  	_ =	sfence.sel $0xFFFF  }
0xbf: {  	[dreg:$0x0] =	wrdreg $0xFFFFFFFF;
	(pc) =	sbr.abs _section_cstart, $3  }
0xc0: {  	[dreg:$0x1] =	wrdreg $0xFFFFFFFF  }
0xc1: {  	_ =	task.clear_ibuf [dreg:s6], $0x2FFFF;
	_ =	strace $0x9FFFFFFF  }
0xc2: {  	(tm) =	ssettm $0x7FFFFFFF  }
0xc3: {  	_ =	shalt  }
tec
execute0_lowered:
.L_overlay_start_1:
0x0: {  	(tag) =	ssettag $0x1  }
0x1: {  	s4 =	rddreg [dreg:$0x0]  }
0x2: {  	s2 =	rddreg [dreg:$0x1]  }
0x3: {  	s0 =	rddreg [dreg:$0x2]  }
0x4: {  	s1 =	stileid.u32;
	s5 =	srdreg.scid  }
0x5: {  	s3 =	simm.s32 $0x0;
	s13 =	simm.s32 $0x0;
	s6 =	smul.u32 $0x280, s1  }
0x6: {  	s5 =	sand.u32 $0x1, s5;
	[smem:$0x7FF] =	sst s3;
	s8 =	smul.u32 $0x9E0, s1  }
0x7: {  	s31 =	sshll.u32 s1, $0x6;
	s7 =	smul.u32 $0x2800, s5;
	s9 =	ssub.s32 $0x2, s5  }
0x8: {  	_ =	strace $0x80000047;
	s11 =	smul.u32 $0x4F0, s5;
	s10 =	sshrl.u32 s9, $0x1  }
0x9: {  	s8 =	sadd.s32 s8, s4;
	s7 =	sadd.s32 s6, s7;
	s30 =	ssub.s32 s9, s10  }
0xa: {  	s8 =	sadd.s32 s11, s8;
	s9 =	simm.s32 $0x1;
	s7 =	sshrl.u32 s7, $0x3  }
0xb: {  	s10 =	simm.s32 $0x80;
	s11 =	sor.u32 $0x1C01, s31;
	s29 =	sadd.s32 s7, s4  }
0xc: {  	s4 =	sadd.s32 s6, s2;
	s6 =	smax.u32 s30, $0x1;
	s7 =	sadd.s32 $0x2600, s8  }
0xd: {  	v0 =	vimm.f32 $1.000000000e+00;
	v1 =	vimm.f32 $0.0e+00;
	s8 =	simm.s32 $0x100;
	s5 =	sadd.s32 $0xC400, s29;
	s12 =	sshrl.u32 s4, $0x3  }
.LBB2_1:
0xe: {  	[tilespmem:$0x80] =	vst v0  }
0xf: {  	[tilespmem:$0x90] =	vst v0  }
0x10: {  	[tilespmem:$0xA0] =	vst v0  }
0x11: {  	[tilespmem:$0xB0] =	vst v0  }
0x12: {  	[tilespmem:$0xC0] =	vst v0  }
0x13: {  	[tilespmem:$0xD0] =	vst v0  }
0x14: {  	[tilespmem:$0xE0] =	vst v0  }
0x15: {  	[tilespmem:$0xF0] =	vst v0  }
0x16: {  	[tilespmem:$0x100] =	vst v1  }
0x17: {  	[tilespmem:$0x110] =	vst v1  }
0x18: {  	[tilespmem:$0x120] =	vst v1  }
0x19: {  	[tilespmem:$0x130] =	vst v1  }
0x1a: {  	[tilespmem:$0x140] =	vst v1  }
0x1b: {  	[tilespmem:$0x150] =	vst v1  }
0x1c: {  	[tilespmem:$0x160] =	vst v1  }
0x1d: {  	[tilespmem:$0x170] =	vst v1  }
0x1e: {  	[tilespmem:$0x180] =	vst v1  }
0x1f: {  	[tilespmem:$0x190] =	vst v1  }
0x20: {  	[tilespmem:$0x1A0] =	vst v1  }
0x21: {  	[tilespmem:$0x1B0] =	vst v1  }
0x22: {  	[tilespmem:$0x1C0] =	vst v1  }
0x23: {  	[tilespmem:$0x1D0] =	vst v1  }
0x24: {  	[tilespmem:$0x1E0] =	vst v1  }
0x25: {  	[tilespmem:$0x1F0] =	vst v1  }
0x26: {  	[tilespmem:$0x200] =	vst v1  }
0x27: {  	[tilespmem:$0x210] =	vst v1  }
0x28: {  	[tilespmem:$0x220] =	vst v1  }
0x29: {  	[tilespmem:$0x230] =	vst v1  }
0x2a: {  	[tilespmem:$0x240] =	vst v1  }
0x2b: {  	[tilespmem:$0x250] =	vst v1  }
0x2c: {  	[tilespmem:$0x260] =	vst v1  }
0x2d: {  	[tilespmem:$0x270] =	vst v1  }
0x2e: {  	[tilespmem:$0x280] =	vst v1  }
0x2f: {  	[tilespmem:$0x290] =	vst v1  }
0x30: {  	[tilespmem:$0x2A0] =	vst v1  }
0x31: {  	[tilespmem:$0x2B0] =	vst v1  }
0x32: {  	[tilespmem:$0x2C0] =	vst v1  }
0x33: {  	[tilespmem:$0x2D0] =	vst v1  }
0x34: {  	[tilespmem:$0x2E0] =	vst v1  }
0x35: {  	[tilespmem:$0x2F0] =	vst v1  }
0x36: {  	[tilespmem:$0x300] =	vst v1  }
0x37: {  	[tilespmem:$0x310] =	vst v1  }
0x38: {  	[tilespmem:$0x320] =	vst v1  }
0x39: {  	[tilespmem:$0x330] =	vst v1  }
0x3a: {  	[tilespmem:$0x340] =	vst v1  }
0x3b: {  	[tilespmem:$0x350] =	vst v1  }
0x3c: {  	[tilespmem:$0x360] =	vst v1  }
0x3d: {  	[tilespmem:$0x370] =	vst v1  }
0x3e: {  	[spmem:s4] =	stream.linear.scatter [tilespmem:s8], [sflag:$0x1], $0x280, $0x38;
	[tilespmem:$0x600] =	vst v63  }
0x3f: {  	_ =	swait.ge [sflag:s9], $0x280  }
0x40: {  	[sflag:s9] =	ssyncset.done $0x0  }
0x41: {  	[sflag:s9] =	ssyncadd.s32 $0xFFFFFD80  }
0x42: {  	s14 =	sadd.s32 $0x0, s7;
	[bflag:$0x0] =	sbarrier.arrive $0xFFFF  }
0x43: {  	[tilespmem:s3], [sflag:$0x1] =	stream.linear.gather [hbm4b:s14+s3], $0x80, $0x38;
	[tilespmem:$0x600] =	vst v63  }
0x44: {  	_ =	swait.ge [sflag:s9], $0x80  }
0x45: {  	[sflag:s9] =	ssyncset.done $0x0  }
0x46: {  	[sflag:s9] =	ssyncadd.s32 $0xFFFFFF80  }
0x47: {  	[spmem:s2] =	stream.indirect.scatter.add.f32 [tilespmem:s10], [sflag:$0x1], $0x1, s3, s10, $0xb8;
	[tilespmem:$0x600] =	vst v63  }
0x48: {  	_ =	swait.ge [sflag:s9], $0x80  }
0x49: {  	s15 =	simm.s32 $0x20;
	s14 =	simm.s32 $0x10;
	[sflag:s9] =	ssyncset.done $0x0  }
.LBB2_2:
0x4a: {  	s16 =	sadd.s32 s14, s7  }
0x4b: {  	[sflag:s9] =	ssyncadd.s32 $0xFFFFFF80;
	s14 =	smov.u32 s15;
	s17 =	sadd.s32 $0x10, s15  }
0x4c: {  	[tilespmem:s3], [sflag:$0x1] =	stream.linear.gather [hbm4b:s16+s3], $0x80, $0x38;
	[tilespmem:$0x600] =	vst v63  }
0x4d: {  	p0 =	sne.s32 s15, $0x4E0;
	_ =	swait.ge [sflag:s9], $0x80  }
.Ltmp0:
0x4e: {  	[sflag:s9] =	ssyncset.done $0x0;
	(pc) =	sbr.rel @p0 .LBB2_2-.Ltmp0, $4  }
0x4f: {  	[sflag:s9] =	ssyncadd.s32 $0xFFFFFF80  }
0x50: {  	[spmem:s2] =	stream.indirect.scatter.add.f32 [tilespmem:s10], [sflag:$0x1], $0x1, s3, s10, $0xb8;
	[tilespmem:$0x600] =	vst v63  }
0x51: {  	_ =	swait.ge [sflag:s9], $0x80  }
0x52: {  	s15 =	smov.u32 s17;
	[sflag:s9] =	ssyncset.done $0x0  }
0x53: {  	s14 =	sadd.s32 s14, s7;
	[sflag:s9] =	ssyncadd.s32 $0xFFFFFF80  }
0x54: {  	[tilespmem:s3], [sflag:$0x1] =	stream.linear.gather [hbm4b:s14+s3], $0x80, $0x38;
	[tilespmem:$0x600] =	vst v63  }
0x55: {  	_ =	swait.ge [sflag:s9], $0x80  }
0x56: {  	[sflag:s9] =	ssyncset.done $0x0  }
0x57: {  	[sflag:s9] =	ssyncadd.s32 $0xFFFFFF80  }
0x58: {  	[spmem:s2] =	stream.indirect.scatter.add.f32 [tilespmem:s10], [sflag:$0x1], $0x1, s3, s10, $0xb8;
	[tilespmem:$0x600] =	vst v63  }
0x59: {  	_ =	swait.ge [sflag:s9], $0x80  }
0x5a: {  	s13 =	sadd.s32 $0x1, s13;
	[sflag:s9] =	ssyncset.done $0x0  }
0x5b: {  	p0 =	sne.s32 s13, s6;
	[sflag:s9] =	ssyncadd.s32 $0xFFFFFF80  }
.Ltmp1:
0x5c: {  	[bflag:$0x0] =	sbarrier.arrive $0xFFFF;
	(pc) =	sbr.rel @p0 .LBB2_1-.Ltmp1, $4  }
0x5d: {  	[hbm:s5], [sflag:s11] =	dma.local [spmem:s12], $0x50  }
0x5e: {  	_ =	swait.ge [sflag:s9], $0x50  }
0x5f: {  	[sflag:s9] =	ssyncset.done $0x0  }
0x60: {  	[sflag:s9] =	ssyncadd.s32 $0xFFFFFFB0  }
0x61: {  	_ =	sfence.sel $0x180000  }
0x62: {  	[bflag:$0x0] =	sbarrier.arrive $0xFFFF  }
0x63: {  	p0 =	sne.s32 s1, $0x0;
	_ =	strace $0x90000047  }
0x64: {  	s0 =	sadd.s32 @!p0 $0x100000, s0;
	[bflag:$0x2] =	sbarrier.arrive $0xFFFF  }
0x65: {  	[sflag:s0] =	ssyncadd.tile.s32 @!p0 $0x1;
	_ =	shalt  }
.Lfunc_end2:
_tile_overlayer_lowered:
.L_overlay_start_2:
0x66: {  	(tag) =	ssettag $0x2  }
0x67: {  	s0 =	rddreg [dreg:$0x0];
	s2 =	stileid.u32  }
0x68: {  	s1 =	rddreg [dreg:$0x1];
	p0 =	sne.s32 s2, $0x0  }
0x69: {  	s3 =	rddreg [dreg:$0x2];
	[bflag:$0x3] =	sbarrier.arrive $0xFFFF;
	s2 =	simm.s32 @!p0 $0x1C01  }
0x6a: {  	[timem:s3], [sflag:s2] =	dma.local @!p0 [hbm:s0], s1  }
0x6b: {  	s0 =	simm.s32 @!p0 $0x1  }
0x6c: {  	_ =	swait.ge @!p0 [sflag:s0], s1  }
0x6d: {  	s1 =	ssub.s32 @!p0 $0x0, s1;
	[sflag:s0] =	ssyncset.done @!p0 $0x0  }
0x6e: {  	[sflag:s0] =	ssyncadd.s32 @!p0 s1  }
0x6f: {  	[bflag:$0x3] =	sbarrier.arrive $0xFFFF  }
0x70: {  	_ =	shalt  }

</sc_bundles>
